<compile_context>
chip_gen: v7x
topology: tpu7x:2x2x1
jax: 0.10.2.dev20260603
libtpu: 0.0.44.dev20260713+nightly
codegen_flags: <defaults>
</compile_context>

<pallas_src>
import functools

import jax
import jax.numpy as jnp
from jax import lax
from jax.experimental import pallas as pl
from jax.experimental.pallas import tpu as pltpu
from jax.experimental.pallas import tpu_sc as plsc

_BURNIN_STEPS = 1000

_NC = 2
_NS = 16
_NW = _NC * _NS
_LANES = 16

_B = 16384
_PER_W = _B // _NW
_CHUNK = 128
_NCHUNK = _PER_W // _CHUNK


@functools.partial(
    pl.kernel,
    out_type=jax.ShapeDtypeStruct((_NW, _NCHUNK, _CHUNK), jnp.float32),
    mesh=plsc.VectorSubcoreMesh(core_axis_name="c", subcore_axis_name="s"),
    scratch_types=[
        pltpu.VMEM((_NCHUNK, _CHUNK), jnp.int32),
        pltpu.VMEM((_NCHUNK, _CHUNK), jnp.float32),
        pltpu.VMEM((_LANES,), jnp.int32),
        pltpu.SemaphoreType.DMA,
        pltpu.SemaphoreType.DMA,
        pltpu.SemaphoreType.DMA((_NCHUNK,)),
    ],
)
def _reweight_kernel(idx_hbm, it_hbm, alpha_hbm, out_hbm,
                     idx_v, vals_v, it_v, isem, fsem, csems):
    wid = lax.axis_index("s") * _NC + lax.axis_index("c")

    c_idx = pltpu.async_copy(idx_hbm.at[wid], idx_v, isem)
    c_it = pltpu.async_copy(it_hbm, it_v.at[pl.ds(0, 1)], fsem)
    c_idx.wait()

    gathers = [
        pltpu.async_copy(alpha_hbm.at[idx_v.at[j]], vals_v.at[j], csems.at[j])
        for j in range(_NCHUNK)
    ]
    c_it.wait()
    not_burnin = it_v[...][0] >= _BURNIN_STEPS
    one = jnp.ones((_LANES,), jnp.float32)

    for j0 in range(0, _NCHUNK, 2):
        gathers[j0].wait()
        gathers[j0 + 1].wait()
        for j in (j0, j0 + 1):
            row = vals_v.at[j]
            for i in range(_CHUNK // _LANES):
                sl = pl.ds(i * _LANES, _LANES)
                x = row[sl]
                sig = one / (one + jnp.exp(-x))
                row[sl] = jnp.where(not_burnin, sig, one)
    pltpu.sync_copy(vals_v, out_hbm.at[wid])


def kernel(proj_indices, iteration, alpha):
    idx = jnp.asarray(proj_indices, jnp.int32).reshape(_NW, _NCHUNK, _CHUNK)
    it_arr = jnp.asarray(iteration, jnp.int32).reshape(1)
    out = _reweight_kernel(idx, it_arr, alpha)
    return out.reshape(_B)

# --- scband reference (transcript-rebuilt; emitter-appended) ---
"""Pipeline reference for scband-learnable-static-reweighting-30545807409276 (READ-ONLY COPY).

The authoritative reference and input builder live on the scoring server;
editing this copy changes nothing except your own understanding.
"""

import jax, jax.numpy as jnp
import numpy as np
import math

NUM_PROJECTIONS = 1000000
TARGET_MEAN = 0.85
BURNIN_STEPS = 1000

def setup_inputs(seed: int = 0) -> dict:
    key = jax.random.key(seed)
    k1, _ = jax.random.split(key)
    proj_indices = jax.random.randint(k1, (16384,), 0, NUM_PROJECTIONS, dtype=jnp.int64 if jax.config.jax_enable_x64 else jnp.int32)
    alpha_init = math.log(TARGET_MEAN / (1 - TARGET_MEAN + 1e-08))
    alpha = jnp.full((NUM_PROJECTIONS,), alpha_init, dtype=jnp.float32)
    iteration = 5000
    return {"proj_indices": proj_indices, "iteration": iteration, "alpha": alpha}

def reference(proj_indices, iteration, alpha):
    # get_weight_for_batch: during burn-in return ones, else sigmoid(alpha[proj_indices])
    burnin_out = jnp.ones((proj_indices.shape[0],), dtype=jnp.float32)
    gathered = jnp.take(alpha, proj_indices, axis=0)
    return jnp.where(iteration < BURNIN_STEPS, burnin_out, jax.nn.sigmoid(gathered))

if __name__ == "__main__":
    import jax
    _d = setup_inputs()
    print(jax.jit(kernel)(*tuple(_d.values())))

</pallas_src>

<mosaic_0001>
#map = affine_map<(d0, d1) -> (0, 0, 0)>
#map1 = affine_map<(d0, d1) -> (0)>
module attributes {stable_mosaic.version = 14 : i64} {
  func.func @_reweight_kernel(%arg0: i32, %arg1: i32, %arg2: memref<32x4x128xi32, #tpu.memory_space<hbm>>, %arg3: memref<1xi32, #tpu.memory_space<hbm>>, %arg4: memref<1000000xf32, #tpu.memory_space<hbm>>, %arg5: memref<32x4x128xf32, #tpu.memory_space<hbm>>, %arg6: memref<4x128xi32, #tpu.memory_space<vmem>>, %arg7: memref<4x128xf32, #tpu.memory_space<vmem>>, %arg8: memref<16xi32, #tpu.memory_space<vmem>>, %arg9: memref<!tpu.dma_semaphore, #tpu.memory_space<semaphore_mem>>, %arg10: memref<!tpu.dma_semaphore, #tpu.memory_space<semaphore_mem>>, %arg11: memref<4x!tpu.dma_semaphore, #tpu.memory_space<semaphore_mem>>) attributes {dimension_semantics = [#tpu.dimension_semantics<core_parallel>, #tpu.dimension_semantics<subcore_parallel>], iteration_bounds = array<i64: 2, 16>, scalar_prefetch = 0 : i64, scratch_operands = 6 : i64, tpu.core_type = #tpu.core_type<sc_vector_subcore>, window_params = [{transform_indices = #map}, {transform_indices = #map1}, {transform_indices = #map1}, {transform_indices = #map}]} {
    %mul3A = arith.constant 2 : i32
    %mul3A_0 = arith.muli %arg1, %mul3A : i32
    %add3A = arith.addi %mul3A_0, %arg0 : i32
    %dma_start3A = arith.constant 0 : i32
    %dma_start3A_1 = arith.constant 0 : i32
    %dma_start3A_2 = tpu.memref_slice %arg2[%add3A, %dma_start3A, %dma_start3A_1] : memref<32x4x128xi32, #tpu.memory_space<hbm>> -> memref<1x4x128xi32, #tpu.memory_space<hbm>>
    %dma_start3A_3 = tpu.memref_squeeze %dma_start3A_2 : memref<1x4x128xi32, #tpu.memory_space<hbm>> -> memref<4x128xi32, #tpu.memory_space<hbm>>
    %dma_start3A_4 = arith.constant 0 : i32
    %dma_start3A_5 = arith.constant 0 : i32
    %dma_start3A_6 = tpu.memref_slice %arg2[%add3A, %dma_start3A_4, %dma_start3A_5] : memref<32x4x128xi32, #tpu.memory_space<hbm>> -> memref<1x4x128xi32, #tpu.memory_space<hbm>>
    %dma_start3A_7 = tpu.memref_squeeze %dma_start3A_6 : memref<1x4x128xi32, #tpu.memory_space<hbm>> -> memref<4x128xi32, #tpu.memory_space<hbm>>
    tpu.enqueue_dma source(%dma_start3A_7 : memref<4x128xi32, #tpu.memory_space<hbm>>) target(%arg6 : memref<4x128xi32, #tpu.memory_space<vmem>>) target_semaphore(%arg9 : memref<!tpu.dma_semaphore, #tpu.memory_space<semaphore_mem>>)
    %dma_start3A_8 = arith.constant 0 : i32
    %dma_start3A_9 = tpu.memref_slice %arg8[%dma_start3A_8] : memref<16xi32, #tpu.memory_space<vmem>> -> memref<1xi32, #tpu.memory_space<vmem>>
    %dma_start3A_10 = arith.constant 0 : i32
    %dma_start3A_11 = tpu.memref_slice %arg8[%dma_start3A_10] : memref<16xi32, #tpu.memory_space<vmem>> -> memref<1xi32, #tpu.memory_space<vmem>>
    tpu.enqueue_dma source(%arg3 : memref<1xi32, #tpu.memory_space<hbm>>) target(%dma_start3A_11 : memref<1xi32, #tpu.memory_space<vmem>>) target_semaphore(%arg10 : memref<!tpu.dma_semaphore, #tpu.memory_space<semaphore_mem>>)
    %dma_wait3A = arith.constant 0 : i32
    %dma_wait3A_12 = arith.constant 0 : i32
    %dma_wait3A_13 = tpu.memref_slice %arg2[%add3A, %dma_wait3A, %dma_wait3A_12] : memref<32x4x128xi32, #tpu.memory_space<hbm>> -> memref<1x4x128xi32, #tpu.memory_space<hbm>>
    %dma_wait3A_14 = tpu.memref_squeeze %dma_wait3A_13 : memref<1x4x128xi32, #tpu.memory_space<hbm>> -> memref<4x128xi32, #tpu.memory_space<hbm>>
    %dma_wait3A_15 = arith.constant 0 : i32
    %dma_wait3A_16 = arith.constant 0 : i32
    %dma_wait3A_17 = tpu.memref_slice %arg2[%add3A, %dma_wait3A_15, %dma_wait3A_16] : memref<32x4x128xi32, #tpu.memory_space<hbm>> -> memref<1x4x128xi32, #tpu.memory_space<hbm>>
    %dma_wait3A_18 = tpu.memref_squeeze %dma_wait3A_17 : memref<1x4x128xi32, #tpu.memory_space<hbm>> -> memref<4x128xi32, #tpu.memory_space<hbm>>
    tpu.wait_dma2 semaphore(%arg9 : memref<!tpu.dma_semaphore, #tpu.memory_space<semaphore_mem>>) src(%dma_wait3A_18 : memref<4x128xi32, #tpu.memory_space<hbm>>) dst(%arg6 : memref<4x128xi32, #tpu.memory_space<vmem>>)
    %dma_start3A_19 = arith.constant 0 : i32
    %dma_start3A_20 = arith.constant 0 : i32
    %dma_start3A_21 = arith.constant 0 : i32
    %dma_start3A_22 = arith.constant 0 : i32
    %dma_start3A_23 = tpu.memref_slice %arg7[%dma_start3A_20, %dma_start3A_22] : memref<4x128xf32, #tpu.memory_space<vmem>> -> memref<1x128xf32, #tpu.memory_space<vmem>>
    %dma_start3A_24 = tpu.memref_squeeze %dma_start3A_23 : memref<1x128xf32, #tpu.memory_space<vmem>> -> memref<128xf32, #tpu.memory_space<vmem>>
    %dma_start3A_25 = arith.constant 0 : i32
    %dma_start3A_26 = tpu.memref_slice %arg6[%dma_start3A_19, %dma_start3A_25] : memref<4x128xi32, #tpu.memory_space<vmem>> -> memref<1x128xi32, #tpu.memory_space<vmem>>
    %dma_start3A_27 = tpu.memref_squeeze %dma_start3A_26 : memref<1x128xi32, #tpu.memory_space<vmem>> -> memref<128xi32, #tpu.memory_space<vmem>>
    %dma_start3A_28 = arith.constant 0 : i32
    %dma_start3A_29 = tpu.memref_slice %arg4[%dma_start3A_28] : memref<1000000xf32, #tpu.memory_space<hbm>> -> memref<1000000xf32, #tpu.memory_space<hbm>>
    %dma_start3A_30 = tpu.memref_slice %arg11[%dma_start3A_21] : memref<4x!tpu.dma_semaphore, #tpu.memory_space<semaphore_mem>> -> memref<1x!tpu.dma_semaphore, #tpu.memory_space<semaphore_mem>>
    %dma_start3A_31 = tpu.memref_squeeze %dma_start3A_30 : memref<1x!tpu.dma_semaphore, #tpu.memory_space<semaphore_mem>> -> memref<!tpu.dma_semaphore, #tpu.memory_space<semaphore_mem>>
    tpu.enqueue_indirect_dma source(%dma_start3A_29 : memref<1000000xf32, #tpu.memory_space<hbm>>) target(%dma_start3A_24 : memref<128xf32, #tpu.memory_space<vmem>>) offsets(%dma_start3A_27 : memref<128xi32, #tpu.memory_space<vmem>>) semaphore(%dma_start3A_31 : memref<!tpu.dma_semaphore, #tpu.memory_space<semaphore_mem>>)
    %dma_start3A_32 = arith.constant 1 : i32
    %dma_start3A_33 = arith.constant 1 : i32
    %dma_start3A_34 = arith.constant 1 : i32
    %dma_start3A_35 = arith.constant 0 : i32
    %dma_start3A_36 = tpu.memref_slice %arg7[%dma_start3A_33, %dma_start3A_35] : memref<4x128xf32, #tpu.memory_space<vmem>> -> memref<1x128xf32, #tpu.memory_space<vmem>>
    %dma_start3A_37 = tpu.memref_squeeze %dma_start3A_36 : memref<1x128xf32, #tpu.memory_space<vmem>> -> memref<128xf32, #tpu.memory_space<vmem>>
    %dma_start3A_38 = arith.constant 0 : i32
    %dma_start3A_39 = tpu.memref_slice %arg6[%dma_start3A_32, %dma_start3A_38] : memref<4x128xi32, #tpu.memory_space<vmem>> -> memref<1x128xi32, #tpu.memory_space<vmem>>
    %dma_start3A_40 = tpu.memref_squeeze %dma_start3A_39 : memref<1x128xi32, #tpu.memory_space<vmem>> -> memref<128xi32, #tpu.memory_space<vmem>>
    %dma_start3A_41 = arith.constant 0 : i32
    %dma_start3A_42 = tpu.memref_slice %arg4[%dma_start3A_41] : memref<1000000xf32, #tpu.memory_space<hbm>> -> memref<1000000xf32, #tpu.memory_space<hbm>>
    %dma_start3A_43 = tpu.memref_slice %arg11[%dma_start3A_34] : memref<4x!tpu.dma_semaphore, #tpu.memory_space<semaphore_mem>> -> memref<1x!tpu.dma_semaphore, #tpu.memory_space<semaphore_mem>>
    %dma_start3A_44 = tpu.memref_squeeze %dma_start3A_43 : memref<1x!tpu.dma_semaphore, #tpu.memory_space<semaphore_mem>> -> memref<!tpu.dma_semaphore, #tpu.memory_space<semaphore_mem>>
    tpu.enqueue_indirect_dma source(%dma_start3A_42 : memref<1000000xf32, #tpu.memory_space<hbm>>) target(%dma_start3A_37 : memref<128xf32, #tpu.memory_space<vmem>>) offsets(%dma_start3A_40 : memref<128xi32, #tpu.memory_space<vmem>>) semaphore(%dma_start3A_44 : memref<!tpu.dma_semaphore, #tpu.memory_space<semaphore_mem>>)
    %dma_start3A_45 = arith.constant 2 : i32
    %dma_start3A_46 = arith.constant 2 : i32
    %dma_start3A_47 = arith.constant 2 : i32
    %dma_start3A_48 = arith.constant 0 : i32
    %dma_start3A_49 = tpu.memref_slice %arg7[%dma_start3A_46, %dma_start3A_48] : memref<4x128xf32, #tpu.memory_space<vmem>> -> memref<1x128xf32, #tpu.memory_space<vmem>>
    %dma_start3A_50 = tpu.memref_squeeze %dma_start3A_49 : memref<1x128xf32, #tpu.memory_space<vmem>> -> memref<128xf32, #tpu.memory_space<vmem>>
    %dma_start3A_51 = arith.constant 0 : i32
    %dma_start3A_52 = tpu.memref_slice %arg6[%dma_start3A_45, %dma_start3A_51] : memref<4x128xi32, #tpu.memory_space<vmem>> -> memref<1x128xi32, #tpu.memory_space<vmem>>
    %dma_start3A_53 = tpu.memref_squeeze %dma_start3A_52 : memref<1x128xi32, #tpu.memory_space<vmem>> -> memref<128xi32, #tpu.memory_space<vmem>>
    %dma_start3A_54 = arith.constant 0 : i32
    %dma_start3A_55 = tpu.memref_slice %arg4[%dma_start3A_54] : memref<1000000xf32, #tpu.memory_space<hbm>> -> memref<1000000xf32, #tpu.memory_space<hbm>>
    %dma_start3A_56 = tpu.memref_slice %arg11[%dma_start3A_47] : memref<4x!tpu.dma_semaphore, #tpu.memory_space<semaphore_mem>> -> memref<1x!tpu.dma_semaphore, #tpu.memory_space<semaphore_mem>>
    %dma_start3A_57 = tpu.memref_squeeze %dma_start3A_56 : memref<1x!tpu.dma_semaphore, #tpu.memory_space<semaphore_mem>> -> memref<!tpu.dma_semaphore, #tpu.memory_space<semaphore_mem>>
    tpu.enqueue_indirect_dma source(%dma_start3A_55 : memref<1000000xf32, #tpu.memory_space<hbm>>) target(%dma_start3A_50 : memref<128xf32, #tpu.memory_space<vmem>>) offsets(%dma_start3A_53 : memref<128xi32, #tpu.memory_space<vmem>>) semaphore(%dma_start3A_57 : memref<!tpu.dma_semaphore, #tpu.memory_space<semaphore_mem>>)
    %dma_start3A_58 = arith.constant 3 : i32
    %dma_start3A_59 = arith.constant 3 : i32
    %dma_start3A_60 = arith.constant 3 : i32
    %dma_start3A_61 = arith.constant 0 : i32
    %dma_start3A_62 = tpu.memref_slice %arg7[%dma_start3A_59, %dma_start3A_61] : memref<4x128xf32, #tpu.memory_space<vmem>> -> memref<1x128xf32, #tpu.memory_space<vmem>>
    %dma_start3A_63 = tpu.memref_squeeze %dma_start3A_62 : memref<1x128xf32, #tpu.memory_space<vmem>> -> memref<128xf32, #tpu.memory_space<vmem>>
    %dma_start3A_64 = arith.constant 0 : i32
    %dma_start3A_65 = tpu.memref_slice %arg6[%dma_start3A_58, %dma_start3A_64] : memref<4x128xi32, #tpu.memory_space<vmem>> -> memref<1x128xi32, #tpu.memory_space<vmem>>
    %dma_start3A_66 = tpu.memref_squeeze %dma_start3A_65 : memref<1x128xi32, #tpu.memory_space<vmem>> -> memref<128xi32, #tpu.memory_space<vmem>>
    %dma_start3A_67 = arith.constant 0 : i32
    %dma_start3A_68 = tpu.memref_slice %arg4[%dma_start3A_67] : memref<1000000xf32, #tpu.memory_space<hbm>> -> memref<1000000xf32, #tpu.memory_space<hbm>>
    %dma_start3A_69 = tpu.memref_slice %arg11[%dma_start3A_60] : memref<4x!tpu.dma_semaphore, #tpu.memory_space<semaphore_mem>> -> memref<1x!tpu.dma_semaphore, #tpu.memory_space<semaphore_mem>>
    %dma_start3A_70 = tpu.memref_squeeze %dma_start3A_69 : memref<1x!tpu.dma_semaphore, #tpu.memory_space<semaphore_mem>> -> memref<!tpu.dma_semaphore, #tpu.memory_space<semaphore_mem>>
    tpu.enqueue_indirect_dma source(%dma_start3A_68 : memref<1000000xf32, #tpu.memory_space<hbm>>) target(%dma_start3A_63 : memref<128xf32, #tpu.memory_space<vmem>>) offsets(%dma_start3A_66 : memref<128xi32, #tpu.memory_space<vmem>>) semaphore(%dma_start3A_70 : memref<!tpu.dma_semaphore, #tpu.memory_space<semaphore_mem>>)
    %dma_wait3A_71 = arith.constant 0 : i32
    %dma_wait3A_72 = tpu.memref_slice %arg8[%dma_wait3A_71] : memref<16xi32, #tpu.memory_space<vmem>> -> memref<1xi32, #tpu.memory_space<vmem>>
    %dma_wait3A_73 = arith.constant 0 : i32
    %dma_wait3A_74 = tpu.memref_slice %arg8[%dma_wait3A_73] : memref<16xi32, #tpu.memory_space<vmem>> -> memref<1xi32, #tpu.memory_space<vmem>>
    tpu.wait_dma2 semaphore(%arg10 : memref<!tpu.dma_semaphore, #tpu.memory_space<semaphore_mem>>) src(%arg3 : memref<1xi32, #tpu.memory_space<hbm>>) dst(%dma_wait3A_74 : memref<1xi32, #tpu.memory_space<vmem>>)
    %get3A = arith.constant 0 : index
    %get3A_75 = tpu.vector_load %arg8[%get3A] {strides = array<i32>} : memref<16xi32, #tpu.memory_space<vmem>>, vector<16xi32>,
    %get3A_76 = vector.shape_cast %get3A_75 : vector<16xi32> to vector<16xi32>
    %slice3A = vector.extract_strided_slice %get3A_76 {offsets = [0], sizes = [1], strides = [1]} : vector<16xi32> to vector<1xi32>
    %squeeze3A = vector.extract %slice3A[0] : i32 from vector<1xi32>
    %ge3A = arith.constant 1000 : i32
    %ge3A_77 = arith.cmpi sge, %squeeze3A, %ge3A : i32
    %broadcast_in_dim3A = arith.constant 1.000000e+00 : f32
    %broadcast_in_dim3A_78 = vector.broadcast %broadcast_in_dim3A : f32 to vector<16xf32>
    %dma_wait3A_79 = arith.constant 0 : i32
    %dma_wait3A_80 = arith.constant 0 : i32
    %dma_wait3A_81 = arith.constant 0 : i32
    %dma_wait3A_82 = arith.constant 0 : i32
    %dma_wait3A_83 = tpu.memref_slice %arg7[%dma_wait3A_80, %dma_wait3A_82] : memref<4x128xf32, #tpu.memory_space<vmem>> -> memref<1x128xf32, #tpu.memory_space<vmem>>
    %dma_wait3A_84 = tpu.memref_squeeze %dma_wait3A_83 : memref<1x128xf32, #tpu.memory_space<vmem>> -> memref<128xf32, #tpu.memory_space<vmem>>
    %dma_wait3A_85 = arith.constant 0 : i32
    %dma_wait3A_86 = tpu.memref_slice %arg6[%dma_wait3A_79, %dma_wait3A_85] : memref<4x128xi32, #tpu.memory_space<vmem>> -> memref<1x128xi32, #tpu.memory_space<vmem>>
    %dma_wait3A_87 = tpu.memref_squeeze %dma_wait3A_86 : memref<1x128xi32, #tpu.memory_space<vmem>> -> memref<128xi32, #tpu.memory_space<vmem>>
    %dma_wait3A_88 = arith.constant 0 : i32
    %dma_wait3A_89 = tpu.memref_slice %arg4[%dma_wait3A_88] : memref<1000000xf32, #tpu.memory_space<hbm>> -> memref<1000000xf32, #tpu.memory_space<hbm>>
    %dma_wait3A_90 = tpu.memref_slice %arg11[%dma_wait3A_81] : memref<4x!tpu.dma_semaphore, #tpu.memory_space<semaphore_mem>> -> memref<1x!tpu.dma_semaphore, #tpu.memory_space<semaphore_mem>>
    %dma_wait3A_91 = tpu.memref_squeeze %dma_wait3A_90 : memref<1x!tpu.dma_semaphore, #tpu.memory_space<semaphore_mem>> -> memref<!tpu.dma_semaphore, #tpu.memory_space<semaphore_mem>>
    tpu.wait_indirect_dma semaphore(%dma_wait3A_91 : memref<!tpu.dma_semaphore, #tpu.memory_space<semaphore_mem>>) src(%dma_wait3A_89 : memref<1000000xf32, #tpu.memory_space<hbm>>) dst(%dma_wait3A_84 : memref<128xf32, #tpu.memory_space<vmem>>)
    %dma_wait3A_92 = arith.constant 1 : i32
    %dma_wait3A_93 = arith.constant 1 : i32
    %dma_wait3A_94 = arith.constant 1 : i32
    %dma_wait3A_95 = arith.constant 0 : i32
    %dma_wait3A_96 = tpu.memref_slice %arg7[%dma_wait3A_93, %dma_wait3A_95] : memref<4x128xf32, #tpu.memory_space<vmem>> -> memref<1x128xf32, #tpu.memory_space<vmem>>
    %dma_wait3A_97 = tpu.memref_squeeze %dma_wait3A_96 : memref<1x128xf32, #tpu.memory_space<vmem>> -> memref<128xf32, #tpu.memory_space<vmem>>
    %dma_wait3A_98 = arith.constant 0 : i32
    %dma_wait3A_99 = tpu.memref_slice %arg6[%dma_wait3A_92, %dma_wait3A_98] : memref<4x128xi32, #tpu.memory_space<vmem>> -> memref<1x128xi32, #tpu.memory_space<vmem>>
    %dma_wait3A_100 = tpu.memref_squeeze %dma_wait3A_99 : memref<1x128xi32, #tpu.memory_space<vmem>> -> memref<128xi32, #tpu.memory_space<vmem>>
    %dma_wait3A_101 = arith.constant 0 : i32
    %dma_wait3A_102 = tpu.memref_slice %arg4[%dma_wait3A_101] : memref<1000000xf32, #tpu.memory_space<hbm>> -> memref<1000000xf32, #tpu.memory_space<hbm>>
    %dma_wait3A_103 = tpu.memref_slice %arg11[%dma_wait3A_94] : memref<4x!tpu.dma_semaphore, #tpu.memory_space<semaphore_mem>> -> memref<1x!tpu.dma_semaphore, #tpu.memory_space<semaphore_mem>>
    %dma_wait3A_104 = tpu.memref_squeeze %dma_wait3A_103 : memref<1x!tpu.dma_semaphore, #tpu.memory_space<semaphore_mem>> -> memref<!tpu.dma_semaphore, #tpu.memory_space<semaphore_mem>>
    tpu.wait_indirect_dma semaphore(%dma_wait3A_104 : memref<!tpu.dma_semaphore, #tpu.memory_space<semaphore_mem>>) src(%dma_wait3A_102 : memref<1000000xf32, #tpu.memory_space<hbm>>) dst(%dma_wait3A_97 : memref<128xf32, #tpu.memory_space<vmem>>)
    %get3A_105 = arith.constant 0 : i32
    %get3A_106 = arith.constant 0 : i32
    %get3A_107 = tpu.memref_slice %arg7[%get3A_105, %get3A_106] : memref<4x128xf32, #tpu.memory_space<vmem>> -> memref<1x128xf32, #tpu.memory_space<vmem>>
    %get3A_108 = tpu.memref_squeeze %get3A_107 : memref<1x128xf32, #tpu.memory_space<vmem>> -> memref<128xf32, #tpu.memory_space<vmem>>
    %get3A_109 = arith.constant 0 : index
    %get3A_110 = tpu.vector_load %get3A_108[%get3A_109] {strides = array<i32>} : memref<128xf32, #tpu.memory_space<vmem>>, vector<16xf32>,
    %get3A_111 = vector.shape_cast %get3A_110 : vector<16xf32> to vector<16xf32>
    %neg3A = arith.constant 0.000000e+00 : f32
    %neg3A_112 = vector.broadcast %neg3A : f32 to vector<16xf32>
    %neg3A_113 = arith.subf %neg3A_112, %get3A_111 : vector<16xf32>
    %exp3A = math.exp %neg3A_113 : vector<16xf32>
    %add3A_114 = arith.addf %broadcast_in_dim3A_78, %exp3A : vector<16xf32>
    %div3A = arith.divf %broadcast_in_dim3A_78, %add3A_114 : vector<16xf32>
    %select_n3A = arith.select %ge3A_77, %div3A, %broadcast_in_dim3A_78 : vector<16xf32>
    %swap3A = arith.constant 0 : i32
    %swap3A_115 = arith.constant 0 : i32
    %swap3A_116 = tpu.memref_slice %arg7[%swap3A, %swap3A_115] : memref<4x128xf32, #tpu.memory_space<vmem>> -> memref<1x128xf32, #tpu.memory_space<vmem>>
    %swap3A_117 = tpu.memref_squeeze %swap3A_116 : memref<1x128xf32, #tpu.memory_space<vmem>> -> memref<128xf32, #tpu.memory_space<vmem>>
    %swap3A_118 = arith.constant 0 : index
    %swap3A_119 = tpu.vector_load %swap3A_117[%swap3A_118] {strides = array<i32>} : memref<128xf32, #tpu.memory_space<vmem>>, vector<16xf32>,
    %swap3A_120 = vector.shape_cast %swap3A_119 : vector<16xf32> to vector<16xf32>
    %swap3A_121 = vector.shape_cast %select_n3A : vector<16xf32> to vector<16xf32>
    tpu.vector_store %swap3A_117[%swap3A_118], %swap3A_121 {strides = array<i32>} : memref<128xf32, #tpu.memory_space<vmem>>, vector<16xf32>,
    %get3A_122 = arith.constant 0 : i32
    %get3A_123 = arith.constant 0 : i32
    %get3A_124 = tpu.memref_slice %arg7[%get3A_122, %get3A_123] : memref<4x128xf32, #tpu.memory_space<vmem>> -> memref<1x128xf32, #tpu.memory_space<vmem>>
    %get3A_125 = tpu.memref_squeeze %get3A_124 : memref<1x128xf32, #tpu.memory_space<vmem>> -> memref<128xf32, #tpu.memory_space<vmem>>
    %get3A_126 = arith.constant 16 : index
    %get3A_127 = tpu.vector_load %get3A_125[%get3A_126] {strides = array<i32>} : memref<128xf32, #tpu.memory_space<vmem>>, vector<16xf32>,
    %get3A_128 = vector.shape_cast %get3A_127 : vector<16xf32> to vector<16xf32>
    %neg3A_129 = arith.constant 0.000000e+00 : f32
    %neg3A_130 = vector.broadcast %neg3A_129 : f32 to vector<16xf32>
    %neg3A_131 = arith.subf %neg3A_130, %get3A_128 : vector<16xf32>
    %exp3A_132 = math.exp %neg3A_131 : vector<16xf32>
    %add3A_133 = arith.addf %broadcast_in_dim3A_78, %exp3A_132 : vector<16xf32>
    %div3A_134 = arith.divf %broadcast_in_dim3A_78, %add3A_133 : vector<16xf32>
    %select_n3A_135 = arith.select %ge3A_77, %div3A_134, %broadcast_in_dim3A_78 : vector<16xf32>
    %swap3A_136 = arith.constant 0 : i32
    %swap3A_137 = arith.constant 0 : i32
    %swap3A_138 = tpu.memref_slice %arg7[%swap3A_136, %swap3A_137] : memref<4x128xf32, #tpu.memory_space<vmem>> -> memref<1x128xf32, #tpu.memory_space<vmem>>
    %swap3A_139 = tpu.memref_squeeze %swap3A_138 : memref<1x128xf32, #tpu.memory_space<vmem>> -> memref<128xf32, #tpu.memory_space<vmem>>
    %swap3A_140 = arith.constant 16 : index
    %swap3A_141 = tpu.vector_load %swap3A_139[%swap3A_140] {strides = array<i32>} : memref<128xf32, #tpu.memory_space<vmem>>, vector<16xf32>,
    %swap3A_142 = vector.shape_cast %swap3A_141 : vector<16xf32> to vector<16xf32>
    %swap3A_143 = vector.shape_cast %select_n3A_135 : vector<16xf32> to vector<16xf32>
    tpu.vector_store %swap3A_139[%swap3A_140], %swap3A_143 {strides = array<i32>} : memref<128xf32, #tpu.memory_space<vmem>>, vector<16xf32>,
    %get3A_144 = arith.constant 0 : i32
    %get3A_145 = arith.constant 0 : i32
    %get3A_146 = tpu.memref_slice %arg7[%get3A_144, %get3A_145] : memref<4x128xf32, #tpu.memory_space<vmem>> -> memref<1x128xf32, #tpu.memory_space<vmem>>
    %get3A_147 = tpu.memref_squeeze %get3A_146 : memref<1x128xf32, #tpu.memory_space<vmem>> -> memref<128xf32, #tpu.memory_space<vmem>>
    %get3A_148 = arith.constant 32 : index
    %get3A_149 = tpu.vector_load %get3A_147[%get3A_148] {strides = array<i32>} : memref<128xf32, #tpu.memory_space<vmem>>, vector<16xf32>,
    %get3A_150 = vector.shape_cast %get3A_149 : vector<16xf32> to vector<16xf32>
    %neg3A_151 = arith.constant 0.000000e+00 : f32
    %neg3A_152 = vector.broadcast %neg3A_151 : f32 to vector<16xf32>
    %neg3A_153 = arith.subf %neg3A_152, %get3A_150 : vector<16xf32>
    %exp3A_154 = math.exp %neg3A_153 : vector<16xf32>
    %add3A_155 = arith.addf %broadcast_in_dim3A_78, %exp3A_154 : vector<16xf32>
    %div3A_156 = arith.divf %broadcast_in_dim3A_78, %add3A_155 : vector<16xf32>
    %select_n3A_157 = arith.select %ge3A_77, %div3A_156, %broadcast_in_dim3A_78 : vector<16xf32>
    %swap3A_158 = arith.constant 0 : i32
    %swap3A_159 = arith.constant 0 : i32
    %swap3A_160 = tpu.memref_slice %arg7[%swap3A_158, %swap3A_159] : memref<4x128xf32, #tpu.memory_space<vmem>> -> memref<1x128xf32, #tpu.memory_space<vmem>>
    %swap3A_161 = tpu.memref_squeeze %swap3A_160 : memref<1x128xf32, #tpu.memory_space<vmem>> -> memref<128xf32, #tpu.memory_space<vmem>>
    %swap3A_162 = arith.constant 32 : index
    %swap3A_163 = tpu.vector_load %swap3A_161[%swap3A_162] {strides = array<i32>} : memref<128xf32, #tpu.memory_space<vmem>>, vector<16xf32>,
    %swap3A_164 = vector.shape_cast %swap3A_163 : vector<16xf32> to vector<16xf32>
    %swap3A_165 = vector.shape_cast %select_n3A_157 : vector<16xf32> to vector<16xf32>
    tpu.vector_store %swap3A_161[%swap3A_162], %swap3A_165 {strides = array<i32>} : memref<128xf32, #tpu.memory_space<vmem>>, vector<16xf32>,
    %get3A_166 = arith.constant 0 : i32
    %get3A_167 = arith.constant 0 : i32
    %get3A_168 = tpu.memref_slice %arg7[%get3A_166, %get3A_167] : memref<4x128xf32, #tpu.memory_space<vmem>> -> memref<1x128xf32, #tpu.memory_space<vmem>>
    %get3A_169 = tpu.memref_squeeze %get3A_168 : memref<1x128xf32, #tpu.memory_space<vmem>> -> memref<128xf32, #tpu.memory_space<vmem>>
    %get3A_170 = arith.constant 48 : index
    %get3A_171 = tpu.vector_load %get3A_169[%get3A_170] {strides = array<i32>} : memref<128xf32, #tpu.memory_space<vmem>>, vector<16xf32>,
    %get3A_172 = vector.shape_cast %get3A_171 : vector<16xf32> to vector<16xf32>
    %neg3A_173 = arith.constant 0.000000e+00 : f32
    %neg3A_174 = vector.broadcast %neg3A_173 : f32 to vector<16xf32>
    %neg3A_175 = arith.subf %neg3A_174, %get3A_172 : vector<16xf32>
    %exp3A_176 = math.exp %neg3A_175 : vector<16xf32>
    %add3A_177 = arith.addf %broadcast_in_dim3A_78, %exp3A_176 : vector<16xf32>
    %div3A_178 = arith.divf %broadcast_in_dim3A_78, %add3A_177 : vector<16xf32>
    %select_n3A_179 = arith.select %ge3A_77, %div3A_178, %broadcast_in_dim3A_78 : vector<16xf32>
    %swap3A_180 = arith.constant 0 : i32
    %swap3A_181 = arith.constant 0 : i32
    %swap3A_182 = tpu.memref_slice %arg7[%swap3A_180, %swap3A_181] : memref<4x128xf32, #tpu.memory_space<vmem>> -> memref<1x128xf32, #tpu.memory_space<vmem>>
    %swap3A_183 = tpu.memref_squeeze %swap3A_182 : memref<1x128xf32, #tpu.memory_space<vmem>> -> memref<128xf32, #tpu.memory_space<vmem>>
    %swap3A_184 = arith.constant 48 : index
    %swap3A_185 = tpu.vector_load %swap3A_183[%swap3A_184] {strides = array<i32>} : memref<128xf32, #tpu.memory_space<vmem>>, vector<16xf32>,
    %swap3A_186 = vector.shape_cast %swap3A_185 : vector<16xf32> to vector<16xf32>
    %swap3A_187 = vector.shape_cast %select_n3A_179 : vector<16xf32> to vector<16xf32>
    tpu.vector_store %swap3A_183[%swap3A_184], %swap3A_187 {strides = array<i32>} : memref<128xf32, #tpu.memory_space<vmem>>, vector<16xf32>,
    %get3A_188 = arith.constant 0 : i32
    %get3A_189 = arith.constant 0 : i32
    %get3A_190 = tpu.memref_slice %arg7[%get3A_188, %get3A_189] : memref<4x128xf32, #tpu.memory_space<vmem>> -> memref<1x128xf32, #tpu.memory_space<vmem>>
    %get3A_191 = tpu.memref_squeeze %get3A_190 : memref<1x128xf32, #tpu.memory_space<vmem>> -> memref<128xf32, #tpu.memory_space<vmem>>
    %get3A_192 = arith.constant 64 : index
    %get3A_193 = tpu.vector_load %get3A_191[%get3A_192] {strides = array<i32>} : memref<128xf32, #tpu.memory_space<vmem>>, vector<16xf32>,
    %get3A_194 = vector.shape_cast %get3A_193 : vector<16xf32> to vector<16xf32>
    %neg3A_195 = arith.constant 0.000000e+00 : f32
    %neg3A_196 = vector.broadcast %neg3A_195 : f32 to vector<16xf32>
    %neg3A_197 = arith.subf %neg3A_196, %get3A_194 : vector<16xf32>
    %exp3A_198 = math.exp %neg3A_197 : vector<16xf32>
    %add3A_199 = arith.addf %broadcast_in_dim3A_78, %exp3A_198 : vector<16xf32>
    %div3A_200 = arith.divf %broadcast_in_dim3A_78, %add3A_199 : vector<16xf32>
    %select_n3A_201 = arith.select %ge3A_77, %div3A_200, %broadcast_in_dim3A_78 : vector<16xf32>
    %swap3A_202 = arith.constant 0 : i32
    %swap3A_203 = arith.constant 0 : i32
    %swap3A_204 = tpu.memref_slice %arg7[%swap3A_202, %swap3A_203] : memref<4x128xf32, #tpu.memory_space<vmem>> -> memref<1x128xf32, #tpu.memory_space<vmem>>
    %swap3A_205 = tpu.memref_squeeze %swap3A_204 : memref<1x128xf32, #tpu.memory_space<vmem>> -> memref<128xf32, #tpu.memory_space<vmem>>
    %swap3A_206 = arith.constant 64 : index
    %swap3A_207 = tpu.vector_load %swap3A_205[%swap3A_206] {strides = array<i32>} : memref<128xf32, #tpu.memory_space<vmem>>, vector<16xf32>,
    %swap3A_208 = vector.shape_cast %swap3A_207 : vector<16xf32> to vector<16xf32>
    %swap3A_209 = vector.shape_cast %select_n3A_201 : vector<16xf32> to vector<16xf32>
    tpu.vector_store %swap3A_205[%swap3A_206], %swap3A_209 {strides = array<i32>} : memref<128xf32, #tpu.memory_space<vmem>>, vector<16xf32>,
    %get3A_210 = arith.constant 0 : i32
    %get3A_211 = arith.constant 0 : i32
    %get3A_212 = tpu.memref_slice %arg7[%get3A_210, %get3A_211] : memref<4x128xf32, #tpu.memory_space<vmem>> -> memref<1x128xf32, #tpu.memory_space<vmem>>
    %get3A_213 = tpu.memref_squeeze %get3A_212 : memref<1x128xf32, #tpu.memory_space<vmem>> -> memref<128xf32, #tpu.memory_space<vmem>>
    %get3A_214 = arith.constant 80 : index
    %get3A_215 = tpu.vector_load %get3A_213[%get3A_214] {strides = array<i32>} : memref<128xf32, #tpu.memory_space<vmem>>, vector<16xf32>,
    %get3A_216 = vector.shape_cast %get3A_215 : vector<16xf32> to vector<16xf32>
    %neg3A_217 = arith.constant 0.000000e+00 : f32
    %neg3A_218 = vector.broadcast %neg3A_217 : f32 to vector<16xf32>
    %neg3A_219 = arith.subf %neg3A_218, %get3A_216 : vector<16xf32>
    %exp3A_220 = math.exp %neg3A_219 : vector<16xf32>
    %add3A_221 = arith.addf %broadcast_in_dim3A_78, %exp3A_220 : vector<16xf32>
    %div3A_222 = arith.divf %broadcast_in_dim3A_78, %add3A_221 : vector<16xf32>
    %select_n3A_223 = arith.select %ge3A_77, %div3A_222, %broadcast_in_dim3A_78 : vector<16xf32>
    %swap3A_224 = arith.constant 0 : i32
    %swap3A_225 = arith.constant 0 : i32
    %swap3A_226 = tpu.memref_slice %arg7[%swap3A_224, %swap3A_225] : memref<4x128xf32, #tpu.memory_space<vmem>> -> memref<1x128xf32, #tpu.memory_space<vmem>>
    %swap3A_227 = tpu.memref_squeeze %swap3A_226 : memref<1x128xf32, #tpu.memory_space<vmem>> -> memref<128xf32, #tpu.memory_space<vmem>>
    %swap3A_228 = arith.constant 80 : index
    %swap3A_229 = tpu.vector_load %swap3A_227[%swap3A_228] {strides = array<i32>} : memref<128xf32, #tpu.memory_space<vmem>>, vector<16xf32>,
    %swap3A_230 = vector.shape_cast %swap3A_229 : vector<16xf32> to vector<16xf32>
    %swap3A_231 = vector.shape_cast %select_n3A_223 : vector<16xf32> to vector<16xf32>
    tpu.vector_store %swap3A_227[%swap3A_228], %swap3A_231 {strides = array<i32>} : memref<128xf32, #tpu.memory_space<vmem>>, vector<16xf32>,
    %get3A_232 = arith.constant 0 : i32
    %get3A_233 = arith.constant 0 : i32
    %get3A_234 = tpu.memref_slice %arg7[%get3A_232, %get3A_233] : memref<4x128xf32, #tpu.memory_space<vmem>> -> memref<1x128xf32, #tpu.memory_space<vmem>>
    %get3A_235 = tpu.memref_squeeze %get3A_234 : memref<1x128xf32, #tpu.memory_space<vmem>> -> memref<128xf32, #tpu.memory_space<vmem>>
    %get3A_236 = arith.constant 96 : index
    %get3A_237 = tpu.vector_load %get3A_235[%get3A_236] {strides = array<i32>} : memref<128xf32, #tpu.memory_space<vmem>>, vector<16xf32>,
    %get3A_238 = vector.shape_cast %get3A_237 : vector<16xf32> to vector<16xf32>
    %neg3A_239 = arith.constant 0.000000e+00 : f32
    %neg3A_240 = vector.broadcast %neg3A_239 : f32 to vector<16xf32>
    %neg3A_241 = arith.subf %neg3A_240, %get3A_238 : vector<16xf32>
    %exp3A_242 = math.exp %neg3A_241 : vector<16xf32>
    %add3A_243 = arith.addf %broadcast_in_dim3A_78, %exp3A_242 : vector<16xf32>
    %div3A_244 = arith.divf %broadcast_in_dim3A_78, %add3A_243 : vector<16xf32>
    %select_n3A_245 = arith.select %ge3A_77, %div3A_244, %broadcast_in_dim3A_78 : vector<16xf32>
    %swap3A_246 = arith.constant 0 : i32
    %swap3A_247 = arith.constant 0 : i32
    %swap3A_248 = tpu.memref_slice %arg7[%swap3A_246, %swap3A_247] : memref<4x128xf32, #tpu.memory_space<vmem>> -> memref<1x128xf32, #tpu.memory_space<vmem>>
    %swap3A_249 = tpu.memref_squeeze %swap3A_248 : memref<1x128xf32, #tpu.memory_space<vmem>> -> memref<128xf32, #tpu.memory_space<vmem>>
    %swap3A_250 = arith.constant 96 : index
    %swap3A_251 = tpu.vector_load %swap3A_249[%swap3A_250] {strides = array<i32>} : memref<128xf32, #tpu.memory_space<vmem>>, vector<16xf32>,
    %swap3A_252 = vector.shape_cast %swap3A_251 : vector<16xf32> to vector<16xf32>
    %swap3A_253 = vector.shape_cast %select_n3A_245 : vector<16xf32> to vector<16xf32>
    tpu.vector_store %swap3A_249[%swap3A_250], %swap3A_253 {strides = array<i32>} : memref<128xf32, #tpu.memory_space<vmem>>, vector<16xf32>,
    %get3A_254 = arith.constant 0 : i32
    %get3A_255 = arith.constant 0 : i32
    %get3A_256 = tpu.memref_slice %arg7[%get3A_254, %get3A_255] : memref<4x128xf32, #tpu.memory_space<vmem>> -> memref<1x128xf32, #tpu.memory_space<vmem>>
    %get3A_257 = tpu.memref_squeeze %get3A_256 : memref<1x128xf32, #tpu.memory_space<vmem>> -> memref<128xf32, #tpu.memory_space<vmem>>
    %get3A_258 = arith.constant 112 : index
    %get3A_259 = tpu.vector_load %get3A_257[%get3A_258] {strides = array<i32>} : memref<128xf32, #tpu.memory_space<vmem>>, vector<16xf32>,
    %get3A_260 = vector.shape_cast %get3A_259 : vector<16xf32> to vector<16xf32>
    %neg3A_261 = arith.constant 0.000000e+00 : f32
    %neg3A_262 = vector.broadcast %neg3A_261 : f32 to vector<16xf32>
    %neg3A_263 = arith.subf %neg3A_262, %get3A_260 : vector<16xf32>
    %exp3A_264 = math.exp %neg3A_263 : vector<16xf32>
    %add3A_265 = arith.addf %broadcast_in_dim3A_78, %exp3A_264 : vector<16xf32>
    %div3A_266 = arith.divf %broadcast_in_dim3A_78, %add3A_265 : vector<16xf32>
    %select_n3A_267 = arith.select %ge3A_77, %div3A_266, %broadcast_in_dim3A_78 : vector<16xf32>
    %swap3A_268 = arith.constant 0 : i32
    %swap3A_269 = arith.constant 0 : i32
    %swap3A_270 = tpu.memref_slice %arg7[%swap3A_268, %swap3A_269] : memref<4x128xf32, #tpu.memory_space<vmem>> -> memref<1x128xf32, #tpu.memory_space<vmem>>
    %swap3A_271 = tpu.memref_squeeze %swap3A_270 : memref<1x128xf32, #tpu.memory_space<vmem>> -> memref<128xf32, #tpu.memory_space<vmem>>
    %swap3A_272 = arith.constant 112 : index
    %swap3A_273 = tpu.vector_load %swap3A_271[%swap3A_272] {strides = array<i32>} : memref<128xf32, #tpu.memory_space<vmem>>, vector<16xf32>,
    %swap3A_274 = vector.shape_cast %swap3A_273 : vector<16xf32> to vector<16xf32>
    %swap3A_275 = vector.shape_cast %select_n3A_267 : vector<16xf32> to vector<16xf32>
    tpu.vector_store %swap3A_271[%swap3A_272], %swap3A_275 {strides = array<i32>} : memref<128xf32, #tpu.memory_space<vmem>>, vector<16xf32>,
    %get3A_276 = arith.constant 1 : i32
    %get3A_277 = arith.constant 0 : i32
    %get3A_278 = tpu.memref_slice %arg7[%get3A_276, %get3A_277] : memref<4x128xf32, #tpu.memory_space<vmem>> -> memref<1x128xf32, #tpu.memory_space<vmem>>
    %get3A_279 = tpu.memref_squeeze %get3A_278 : memref<1x128xf32, #tpu.memory_space<vmem>> -> memref<128xf32, #tpu.memory_space<vmem>>
    %get3A_280 = arith.constant 0 : index
    %get3A_281 = tpu.vector_load %get3A_279[%get3A_280] {strides = array<i32>} : memref<128xf32, #tpu.memory_space<vmem>>, vector<16xf32>,
    %get3A_282 = vector.shape_cast %get3A_281 : vector<16xf32> to vector<16xf32>
    %neg3A_283 = arith.constant 0.000000e+00 : f32
    %neg3A_284 = vector.broadcast %neg3A_283 : f32 to vector<16xf32>
    %neg3A_285 = arith.subf %neg3A_284, %get3A_282 : vector<16xf32>
    %exp3A_286 = math.exp %neg3A_285 : vector<16xf32>
    %add3A_287 = arith.addf %broadcast_in_dim3A_78, %exp3A_286 : vector<16xf32>
    %div3A_288 = arith.divf %broadcast_in_dim3A_78, %add3A_287 : vector<16xf32>
    %select_n3A_289 = arith.select %ge3A_77, %div3A_288, %broadcast_in_dim3A_78 : vector<16xf32>
    %swap3A_290 = arith.constant 1 : i32
    %swap3A_291 = arith.constant 0 : i32
    %swap3A_292 = tpu.memref_slice %arg7[%swap3A_290, %swap3A_291] : memref<4x128xf32, #tpu.memory_space<vmem>> -> memref<1x128xf32, #tpu.memory_space<vmem>>
    %swap3A_293 = tpu.memref_squeeze %swap3A_292 : memref<1x128xf32, #tpu.memory_space<vmem>> -> memref<128xf32, #tpu.memory_space<vmem>>
    %swap3A_294 = arith.constant 0 : index
    %swap3A_295 = tpu.vector_load %swap3A_293[%swap3A_294] {strides = array<i32>} : memref<128xf32, #tpu.memory_space<vmem>>, vector<16xf32>,
    %swap3A_296 = vector.shape_cast %swap3A_295 : vector<16xf32> to vector<16xf32>
    %swap3A_297 = vector.shape_cast %select_n3A_289 : vector<16xf32> to vector<16xf32>
    tpu.vector_store %swap3A_293[%swap3A_294], %swap3A_297 {strides = array<i32>} : memref<128xf32, #tpu.memory_space<vmem>>, vector<16xf32>,
    %get3A_298 = arith.constant 1 : i32
    %get3A_299 = arith.constant 0 : i32
    %get3A_300 = tpu.memref_slice %arg7[%get3A_298, %get3A_299] : memref<4x128xf32, #tpu.memory_space<vmem>> -> memref<1x128xf32, #tpu.memory_space<vmem>>
    %get3A_301 = tpu.memref_squeeze %get3A_300 : memref<1x128xf32, #tpu.memory_space<vmem>> -> memref<128xf32, #tpu.memory_space<vmem>>
    %get3A_302 = arith.constant 16 : index
    %get3A_303 = tpu.vector_load %get3A_301[%get3A_302] {strides = array<i32>} : memref<128xf32, #tpu.memory_space<vmem>>, vector<16xf32>,
    %get3A_304 = vector.shape_cast %get3A_303 : vector<16xf32> to vector<16xf32>
    %neg3A_305 = arith.constant 0.000000e+00 : f32
    %neg3A_306 = vector.broadcast %neg3A_305 : f32 to vector<16xf32>
    %neg3A_307 = arith.subf %neg3A_306, %get3A_304 : vector<16xf32>
    %exp3A_308 = math.exp %neg3A_307 : vector<16xf32>
    %add3A_309 = arith.addf %broadcast_in_dim3A_78, %exp3A_308 : vector<16xf32>
    %div3A_310 = arith.divf %broadcast_in_dim3A_78, %add3A_309 : vector<16xf32>
    %select_n3A_311 = arith.select %ge3A_77, %div3A_310, %broadcast_in_dim3A_78 : vector<16xf32>
    %swap3A_312 = arith.constant 1 : i32
    %swap3A_313 = arith.constant 0 : i32
    %swap3A_314 = tpu.memref_slice %arg7[%swap3A_312, %swap3A_313] : memref<4x128xf32, #tpu.memory_space<vmem>> -> memref<1x128xf32, #tpu.memory_space<vmem>>
    %swap3A_315 = tpu.memref_squeeze %swap3A_314 : memref<1x128xf32, #tpu.memory_space<vmem>> -> memref<128xf32, #tpu.memory_space<vmem>>
    %swap3A_316 = arith.constant 16 : index
    %swap3A_317 = tpu.vector_load %swap3A_315[%swap3A_316] {strides = array<i32>} : memref<128xf32, #tpu.memory_space<vmem>>, vector<16xf32>,
    %swap3A_318 = vector.shape_cast %swap3A_317 : vector<16xf32> to vector<16xf32>
    %swap3A_319 = vector.shape_cast %select_n3A_311 : vector<16xf32> to vector<16xf32>
    tpu.vector_store %swap3A_315[%swap3A_316], %swap3A_319 {strides = array<i32>} : memref<128xf32, #tpu.memory_space<vmem>>, vector<16xf32>,
    %get3A_320 = arith.constant 1 : i32
    %get3A_321 = arith.constant 0 : i32
    %get3A_322 = tpu.memref_slice %arg7[%get3A_320, %get3A_321] : memref<4x128xf32, #tpu.memory_space<vmem>> -> memref<1x128xf32, #tpu.memory_space<vmem>>
    %get3A_323 = tpu.memref_squeeze %get3A_322 : memref<1x128xf32, #tpu.memory_space<vmem>> -> memref<128xf32, #tpu.memory_space<vmem>>
    %get3A_324 = arith.constant 32 : index
    %get3A_325 = tpu.vector_load %get3A_323[%get3A_324] {strides = array<i32>} : memref<128xf32, #tpu.memory_space<vmem>>, vector<16xf32>,
    %get3A_326 = vector.shape_cast %get3A_325 : vector<16xf32> to vector<16xf32>
    %neg3A_327 = arith.constant 0.000000e+00 : f32
    %neg3A_328 = vector.broadcast %neg3A_327 : f32 to vector<16xf32>
    %neg3A_329 = arith.subf %neg3A_328, %get3A_326 : vector<16xf32>
    %exp3A_330 = math.exp %neg3A_329 : vector<16xf32>
    %add3A_331 = arith.addf %broadcast_in_dim3A_78, %exp3A_330 : vector<16xf32>
    %div3A_332 = arith.divf %broadcast_in_dim3A_78, %add3A_331 : vector<16xf32>
    %select_n3A_333 = arith.select %ge3A_77, %div3A_332, %broadcast_in_dim3A_78 : vector<16xf32>
    %swap3A_334 = arith.constant 1 : i32
    %swap3A_335 = arith.constant 0 : i32
    %swap3A_336 = tpu.memref_slice %arg7[%swap3A_334, %swap3A_335] : memref<4x128xf32, #tpu.memory_space<vmem>> -> memref<1x128xf32, #tpu.memory_space<vmem>>
    %swap3A_337 = tpu.memref_squeeze %swap3A_336 : memref<1x128xf32, #tpu.memory_space<vmem>> -> memref<128xf32, #tpu.memory_space<vmem>>
    %swap3A_338 = arith.constant 32 : index
    %swap3A_339 = tpu.vector_load %swap3A_337[%swap3A_338] {strides = array<i32>} : memref<128xf32, #tpu.memory_space<vmem>>, vector<16xf32>,
    %swap3A_340 = vector.shape_cast %swap3A_339 : vector<16xf32> to vector<16xf32>
    %swap3A_341 = vector.shape_cast %select_n3A_333 : vector<16xf32> to vector<16xf32>
    tpu.vector_store %swap3A_337[%swap3A_338], %swap3A_341 {strides = array<i32>} : memref<128xf32, #tpu.memory_space<vmem>>, vector<16xf32>,
    %get3A_342 = arith.constant 1 : i32
    %get3A_343 = arith.constant 0 : i32
    %get3A_344 = tpu.memref_slice %arg7[%get3A_342, %get3A_343] : memref<4x128xf32, #tpu.memory_space<vmem>> -> memref<1x128xf32, #tpu.memory_space<vmem>>
    %get3A_345 = tpu.memref_squeeze %get3A_344 : memref<1x128xf32, #tpu.memory_space<vmem>> -> memref<128xf32, #tpu.memory_space<vmem>>
    %get3A_346 = arith.constant 48 : index
    %get3A_347 = tpu.vector_load %get3A_345[%get3A_346] {strides = array<i32>} : memref<128xf32, #tpu.memory_space<vmem>>, vector<16xf32>,
    %get3A_348 = vector.shape_cast %get3A_347 : vector<16xf32> to vector<16xf32>
    %neg3A_349 = arith.constant 0.000000e+00 : f32
    %neg3A_350 = vector.broadcast %neg3A_349 : f32 to vector<16xf32>
    %neg3A_351 = arith.subf %neg3A_350, %get3A_348 : vector<16xf32>
    %exp3A_352 = math.exp %neg3A_351 : vector<16xf32>
    %add3A_353 = arith.addf %broadcast_in_dim3A_78, %exp3A_352 : vector<16xf32>
    %div3A_354 = arith.divf %broadcast_in_dim3A_78, %add3A_353 : vector<16xf32>
    %select_n3A_355 = arith.select %ge3A_77, %div3A_354, %broadcast_in_dim3A_78 : vector<16xf32>
    %swap3A_356 = arith.constant 1 : i32
    %swap3A_357 = arith.constant 0 : i32
    %swap3A_358 = tpu.memref_slice %arg7[%swap3A_356, %swap3A_357] : memref<4x128xf32, #tpu.memory_space<vmem>> -> memref<1x128xf32, #tpu.memory_space<vmem>>
    %swap3A_359 = tpu.memref_squeeze %swap3A_358 : memref<1x128xf32, #tpu.memory_space<vmem>> -> memref<128xf32, #tpu.memory_space<vmem>>
    %swap3A_360 = arith.constant 48 : index
    %swap3A_361 = tpu.vector_load %swap3A_359[%swap3A_360] {strides = array<i32>} : memref<128xf32, #tpu.memory_space<vmem>>, vector<16xf32>,
    %swap3A_362 = vector.shape_cast %swap3A_361 : vector<16xf32> to vector<16xf32>
    %swap3A_363 = vector.shape_cast %select_n3A_355 : vector<16xf32> to vector<16xf32>
    tpu.vector_store %swap3A_359[%swap3A_360], %swap3A_363 {strides = array<i32>} : memref<128xf32, #tpu.memory_space<vmem>>, vector<16xf32>,
    %get3A_364 = arith.constant 1 : i32
    %get3A_365 = arith.constant 0 : i32
    %get3A_366 = tpu.memref_slice %arg7[%get3A_364, %get3A_365] : memref<4x128xf32, #tpu.memory_space<vmem>> -> memref<1x128xf32, #tpu.memory_space<vmem>>
    %get3A_367 = tpu.memref_squeeze %get3A_366 : memref<1x128xf32, #tpu.memory_space<vmem>> -> memref<128xf32, #tpu.memory_space<vmem>>
    %get3A_368 = arith.constant 64 : index
    %get3A_369 = tpu.vector_load %get3A_367[%get3A_368] {strides = array<i32>} : memref<128xf32, #tpu.memory_space<vmem>>, vector<16xf32>,
    %get3A_370 = vector.shape_cast %get3A_369 : vector<16xf32> to vector<16xf32>
    %neg3A_371 = arith.constant 0.000000e+00 : f32
    %neg3A_372 = vector.broadcast %neg3A_371 : f32 to vector<16xf32>
    %neg3A_373 = arith.subf %neg3A_372, %get3A_370 : vector<16xf32>
    %exp3A_374 = math.exp %neg3A_373 : vector<16xf32>
    %add3A_375 = arith.addf %broadcast_in_dim3A_78, %exp3A_374 : vector<16xf32>
    %div3A_376 = arith.divf %broadcast_in_dim3A_78, %add3A_375 : vector<16xf32>
    %select_n3A_377 = arith.select %ge3A_77, %div3A_376, %broadcast_in_dim3A_78 : vector<16xf32>
    %swap3A_378 = arith.constant 1 : i32
    %swap3A_379 = arith.constant 0 : i32
    %swap3A_380 = tpu.memref_slice %arg7[%swap3A_378, %swap3A_379] : memref<4x128xf32, #tpu.memory_space<vmem>> -> memref<1x128xf32, #tpu.memory_space<vmem>>
    %swap3A_381 = tpu.memref_squeeze %swap3A_380 : memref<1x128xf32, #tpu.memory_space<vmem>> -> memref<128xf32, #tpu.memory_space<vmem>>
    %swap3A_382 = arith.constant 64 : index
    %swap3A_383 = tpu.vector_load %swap3A_381[%swap3A_382] {strides = array<i32>} : memref<128xf32, #tpu.memory_space<vmem>>, vector<16xf32>,
    %swap3A_384 = vector.shape_cast %swap3A_383 : vector<16xf32> to vector<16xf32>
    %swap3A_385 = vector.shape_cast %select_n3A_377 : vector<16xf32> to vector<16xf32>
    tpu.vector_store %swap3A_381[%swap3A_382], %swap3A_385 {strides = array<i32>} : memref<128xf32, #tpu.memory_space<vmem>>, vector<16xf32>,
    %get3A_386 = arith.constant 1 : i32
    %get3A_387 = arith.constant 0 : i32
    %get3A_388 = tpu.memref_slice %arg7[%get3A_386, %get3A_387] : memref<4x128xf32, #tpu.memory_space<vmem>> -> memref<1x128xf32, #tpu.memory_space<vmem>>
    %get3A_389 = tpu.memref_squeeze %get3A_388 : memref<1x128xf32, #tpu.memory_space<vmem>> -> memref<128xf32, #tpu.memory_space<vmem>>
    %get3A_390 = arith.constant 80 : index
    %get3A_391 = tpu.vector_load %get3A_389[%get3A_390] {strides = array<i32>} : memref<128xf32, #tpu.memory_space<vmem>>, vector<16xf32>,
    %get3A_392 = vector.shape_cast %get3A_391 : vector<16xf32> to vector<16xf32>
    %neg3A_393 = arith.constant 0.000000e+00 : f32
    %neg3A_394 = vector.broadcast %neg3A_393 : f32 to vector<16xf32>
    %neg3A_395 = arith.subf %neg3A_394, %get3A_392 : vector<16xf32>
    %exp3A_396 = math.exp %neg3A_395 : vector<16xf32>
    %add3A_397 = arith.addf %broadcast_in_dim3A_78, %exp3A_396 : vector<16xf32>
    %div3A_398 = arith.divf %broadcast_in_dim3A_78, %add3A_397 : vector<16xf32>
    %select_n3A_399 = arith.select %ge3A_77, %div3A_398, %broadcast_in_dim3A_78 : vector<16xf32>
    %swap3A_400 = arith.constant 1 : i32
    %swap3A_401 = arith.constant 0 : i32
    %swap3A_402 = tpu.memref_slice %arg7[%swap3A_400, %swap3A_401] : memref<4x128xf32, #tpu.memory_space<vmem>> -> memref<1x128xf32, #tpu.memory_space<vmem>>
    %swap3A_403 = tpu.memref_squeeze %swap3A_402 : memref<1x128xf32, #tpu.memory_space<vmem>> -> memref<128xf32, #tpu.memory_space<vmem>>
    %swap3A_404 = arith.constant 80 : index
    %swap3A_405 = tpu.vector_load %swap3A_403[%swap3A_404] {strides = array<i32>} : memref<128xf32, #tpu.memory_space<vmem>>, vector<16xf32>,
    %swap3A_406 = vector.shape_cast %swap3A_405 : vector<16xf32> to vector<16xf32>
    %swap3A_407 = vector.shape_cast %select_n3A_399 : vector<16xf32> to vector<16xf32>
    tpu.vector_store %swap3A_403[%swap3A_404], %swap3A_407 {strides = array<i32>} : memref<128xf32, #tpu.memory_space<vmem>>, vector<16xf32>,
    %get3A_408 = arith.constant 1 : i32
    %get3A_409 = arith.constant 0 : i32
    %get3A_410 = tpu.memref_slice %arg7[%get3A_408, %get3A_409] : memref<4x128xf32, #tpu.memory_space<vmem>> -> memref<1x128xf32, #tpu.memory_space<vmem>>
    %get3A_411 = tpu.memref_squeeze %get3A_410 : memref<1x128xf32, #tpu.memory_space<vmem>> -> memref<128xf32, #tpu.memory_space<vmem>>
    %get3A_412 = arith.constant 96 : index
    %get3A_413 = tpu.vector_load %get3A_411[%get3A_412] {strides = array<i32>} : memref<128xf32, #tpu.memory_space<vmem>>, vector<16xf32>,
    %get3A_414 = vector.shape_cast %get3A_413 : vector<16xf32> to vector<16xf32>
    %neg3A_415 = arith.constant 0.000000e+00 : f32
    %neg3A_416 = vector.broadcast %neg3A_415 : f32 to vector<16xf32>
    %neg3A_417 = arith.subf %neg3A_416, %get3A_414 : vector<16xf32>
    %exp3A_418 = math.exp %neg3A_417 : vector<16xf32>
    %add3A_419 = arith.addf %broadcast_in_dim3A_78, %exp3A_418 : vector<16xf32>
    %div3A_420 = arith.divf %broadcast_in_dim3A_78, %add3A_419 : vector<16xf32>
    %select_n3A_421 = arith.select %ge3A_77, %div3A_420, %broadcast_in_dim3A_78 : vector<16xf32>
    %swap3A_422 = arith.constant 1 : i32
    %swap3A_423 = arith.constant 0 : i32
    %swap3A_424 = tpu.memref_slice %arg7[%swap3A_422, %swap3A_423] : memref<4x128xf32, #tpu.memory_space<vmem>> -> memref<1x128xf32, #tpu.memory_space<vmem>>
    %swap3A_425 = tpu.memref_squeeze %swap3A_424 : memref<1x128xf32, #tpu.memory_space<vmem>> -> memref<128xf32, #tpu.memory_space<vmem>>
    %swap3A_426 = arith.constant 96 : index
    %swap3A_427 = tpu.vector_load %swap3A_425[%swap3A_426] {strides = array<i32>} : memref<128xf32, #tpu.memory_space<vmem>>, vector<16xf32>,
    %swap3A_428 = vector.shape_cast %swap3A_427 : vector<16xf32> to vector<16xf32>
    %swap3A_429 = vector.shape_cast %select_n3A_421 : vector<16xf32> to vector<16xf32>
    tpu.vector_store %swap3A_425[%swap3A_426], %swap3A_429 {strides = array<i32>} : memref<128xf32, #tpu.memory_space<vmem>>, vector<16xf32>,
    %get3A_430 = arith.constant 1 : i32
    %get3A_431 = arith.constant 0 : i32
    %get3A_432 = tpu.memref_slice %arg7[%get3A_430, %get3A_431] : memref<4x128xf32, #tpu.memory_space<vmem>> -> memref<1x128xf32, #tpu.memory_space<vmem>>
    %get3A_433 = tpu.memref_squeeze %get3A_432 : memref<1x128xf32, #tpu.memory_space<vmem>> -> memref<128xf32, #tpu.memory_space<vmem>>
    %get3A_434 = arith.constant 112 : index
    %get3A_435 = tpu.vector_load %get3A_433[%get3A_434] {strides = array<i32>} : memref<128xf32, #tpu.memory_space<vmem>>, vector<16xf32>,
    %get3A_436 = vector.shape_cast %get3A_435 : vector<16xf32> to vector<16xf32>
    %neg3A_437 = arith.constant 0.000000e+00 : f32
    %neg3A_438 = vector.broadcast %neg3A_437 : f32 to vector<16xf32>
    %neg3A_439 = arith.subf %neg3A_438, %get3A_436 : vector<16xf32>
    %exp3A_440 = math.exp %neg3A_439 : vector<16xf32>
    %add3A_441 = arith.addf %broadcast_in_dim3A_78, %exp3A_440 : vector<16xf32>
    %div3A_442 = arith.divf %broadcast_in_dim3A_78, %add3A_441 : vector<16xf32>
    %select_n3A_443 = arith.select %ge3A_77, %div3A_442, %broadcast_in_dim3A_78 : vector<16xf32>
    %swap3A_444 = arith.constant 1 : i32
    %swap3A_445 = arith.constant 0 : i32
    %swap3A_446 = tpu.memref_slice %arg7[%swap3A_444, %swap3A_445] : memref<4x128xf32, #tpu.memory_space<vmem>> -> memref<1x128xf32, #tpu.memory_space<vmem>>
    %swap3A_447 = tpu.memref_squeeze %swap3A_446 : memref<1x128xf32, #tpu.memory_space<vmem>> -> memref<128xf32, #tpu.memory_space<vmem>>
    %swap3A_448 = arith.constant 112 : index
    %swap3A_449 = tpu.vector_load %swap3A_447[%swap3A_448] {strides = array<i32>} : memref<128xf32, #tpu.memory_space<vmem>>, vector<16xf32>,
    %swap3A_450 = vector.shape_cast %swap3A_449 : vector<16xf32> to vector<16xf32>
    %swap3A_451 = vector.shape_cast %select_n3A_443 : vector<16xf32> to vector<16xf32>
    tpu.vector_store %swap3A_447[%swap3A_448], %swap3A_451 {strides = array<i32>} : memref<128xf32, #tpu.memory_space<vmem>>, vector<16xf32>,
    %dma_wait3A_452 = arith.constant 2 : i32
    %dma_wait3A_453 = arith.constant 2 : i32
    %dma_wait3A_454 = arith.constant 2 : i32
    %dma_wait3A_455 = arith.constant 0 : i32
    %dma_wait3A_456 = tpu.memref_slice %arg7[%dma_wait3A_453, %dma_wait3A_455] : memref<4x128xf32, #tpu.memory_space<vmem>> -> memref<1x128xf32, #tpu.memory_space<vmem>>
    %dma_wait3A_457 = tpu.memref_squeeze %dma_wait3A_456 : memref<1x128xf32, #tpu.memory_space<vmem>> -> memref<128xf32, #tpu.memory_space<vmem>>
    %dma_wait3A_458 = arith.constant 0 : i32
    %dma_wait3A_459 = tpu.memref_slice %arg6[%dma_wait3A_452, %dma_wait3A_458] : memref<4x128xi32, #tpu.memory_space<vmem>> -> memref<1x128xi32, #tpu.memory_space<vmem>>
    %dma_wait3A_460 = tpu.memref_squeeze %dma_wait3A_459 : memref<1x128xi32, #tpu.memory_space<vmem>> -> memref<128xi32, #tpu.memory_space<vmem>>
    %dma_wait3A_461 = arith.constant 0 : i32
    %dma_wait3A_462 = tpu.memref_slice %arg4[%dma_wait3A_461] : memref<1000000xf32, #tpu.memory_space<hbm>> -> memref<1000000xf32, #tpu.memory_space<hbm>>
    %dma_wait3A_463 = tpu.memref_slice %arg11[%dma_wait3A_454] : memref<4x!tpu.dma_semaphore, #tpu.memory_space<semaphore_mem>> -> memref<1x!tpu.dma_semaphore, #tpu.memory_space<semaphore_mem>>
    %dma_wait3A_464 = tpu.memref_squeeze %dma_wait3A_463 : memref<1x!tpu.dma_semaphore, #tpu.memory_space<semaphore_mem>> -> memref<!tpu.dma_semaphore, #tpu.memory_space<semaphore_mem>>
    tpu.wait_indirect_dma semaphore(%dma_wait3A_464 : memref<!tpu.dma_semaphore, #tpu.memory_space<semaphore_mem>>) src(%dma_wait3A_462 : memref<1000000xf32, #tpu.memory_space<hbm>>) dst(%dma_wait3A_457 : memref<128xf32, #tpu.memory_space<vmem>>)
    %dma_wait3A_465 = arith.constant 3 : i32
    %dma_wait3A_466 = arith.constant 3 : i32
    %dma_wait3A_467 = arith.constant 3 : i32
    %dma_wait3A_468 = arith.constant 0 : i32
    %dma_wait3A_469 = tpu.memref_slice %arg7[%dma_wait3A_466, %dma_wait3A_468] : memref<4x128xf32, #tpu.memory_space<vmem>> -> memref<1x128xf32, #tpu.memory_space<vmem>>
    %dma_wait3A_470 = tpu.memref_squeeze %dma_wait3A_469 : memref<1x128xf32, #tpu.memory_space<vmem>> -> memref<128xf32, #tpu.memory_space<vmem>>
    %dma_wait3A_471 = arith.constant 0 : i32
    %dma_wait3A_472 = tpu.memref_slice %arg6[%dma_wait3A_465, %dma_wait3A_471] : memref<4x128xi32, #tpu.memory_space<vmem>> -> memref<1x128xi32, #tpu.memory_space<vmem>>
    %dma_wait3A_473 = tpu.memref_squeeze %dma_wait3A_472 : memref<1x128xi32, #tpu.memory_space<vmem>> -> memref<128xi32, #tpu.memory_space<vmem>>
    %dma_wait3A_474 = arith.constant 0 : i32
    %dma_wait3A_475 = tpu.memref_slice %arg4[%dma_wait3A_474] : memref<1000000xf32, #tpu.memory_space<hbm>> -> memref<1000000xf32, #tpu.memory_space<hbm>>
    %dma_wait3A_476 = tpu.memref_slice %arg11[%dma_wait3A_467] : memref<4x!tpu.dma_semaphore, #tpu.memory_space<semaphore_mem>> -> memref<1x!tpu.dma_semaphore, #tpu.memory_space<semaphore_mem>>
    %dma_wait3A_477 = tpu.memref_squeeze %dma_wait3A_476 : memref<1x!tpu.dma_semaphore, #tpu.memory_space<semaphore_mem>> -> memref<!tpu.dma_semaphore, #tpu.memory_space<semaphore_mem>>
    tpu.wait_indirect_dma semaphore(%dma_wait3A_477 : memref<!tpu.dma_semaphore, #tpu.memory_space<semaphore_mem>>) src(%dma_wait3A_475 : memref<1000000xf32, #tpu.memory_space<hbm>>) dst(%dma_wait3A_470 : memref<128xf32, #tpu.memory_space<vmem>>)
    %get3A_478 = arith.constant 2 : i32
    %get3A_479 = arith.constant 0 : i32
    %get3A_480 = tpu.memref_slice %arg7[%get3A_478, %get3A_479] : memref<4x128xf32, #tpu.memory_space<vmem>> -> memref<1x128xf32, #tpu.memory_space<vmem>>
    %get3A_481 = tpu.memref_squeeze %get3A_480 : memref<1x128xf32, #tpu.memory_space<vmem>> -> memref<128xf32, #tpu.memory_space<vmem>>
    %get3A_482 = arith.constant 0 : index
    %get3A_483 = tpu.vector_load %get3A_481[%get3A_482] {strides = array<i32>} : memref<128xf32, #tpu.memory_space<vmem>>, vector<16xf32>,
    %get3A_484 = vector.shape_cast %get3A_483 : vector<16xf32> to vector<16xf32>
    %neg3A_485 = arith.constant 0.000000e+00 : f32
    %neg3A_486 = vector.broadcast %neg3A_485 : f32 to vector<16xf32>
    %neg3A_487 = arith.subf %neg3A_486, %get3A_484 : vector<16xf32>
    %exp3A_488 = math.exp %neg3A_487 : vector<16xf32>
    %add3A_489 = arith.addf %broadcast_in_dim3A_78, %exp3A_488 : vector<16xf32>
    %div3A_490 = arith.divf %broadcast_in_dim3A_78, %add3A_489 : vector<16xf32>
    %select_n3A_491 = arith.select %ge3A_77, %div3A_490, %broadcast_in_dim3A_78 : vector<16xf32>
    %swap3A_492 = arith.constant 2 : i32
    %swap3A_493 = arith.constant 0 : i32
    %swap3A_494 = tpu.memref_slice %arg7[%swap3A_492, %swap3A_493] : memref<4x128xf32, #tpu.memory_space<vmem>> -> memref<1x128xf32, #tpu.memory_space<vmem>>
    %swap3A_495 = tpu.memref_squeeze %swap3A_494 : memref<1x128xf32, #tpu.memory_space<vmem>> -> memref<128xf32, #tpu.memory_space<vmem>>
    %swap3A_496 = arith.constant 0 : index
    %swap3A_497 = tpu.vector_load %swap3A_495[%swap3A_496] {strides = array<i32>} : memref<128xf32, #tpu.memory_space<vmem>>, vector<16xf32>,
    %swap3A_498 = vector.shape_cast %swap3A_497 : vector<16xf32> to vector<16xf32>
    %swap3A_499 = vector.shape_cast %select_n3A_491 : vector<16xf32> to vector<16xf32>
    tpu.vector_store %swap3A_495[%swap3A_496], %swap3A_499 {strides = array<i32>} : memref<128xf32, #tpu.memory_space<vmem>>, vector<16xf32>,
    %get3A_500 = arith.constant 2 : i32
    %get3A_501 = arith.constant 0 : i32
    %get3A_502 = tpu.memref_slice %arg7[%get3A_500, %get3A_501] : memref<4x128xf32, #tpu.memory_space<vmem>> -> memref<1x128xf32, #tpu.memory_space<vmem>>
    %get3A_503 = tpu.memref_squeeze %get3A_502 : memref<1x128xf32, #tpu.memory_space<vmem>> -> memref<128xf32, #tpu.memory_space<vmem>>
    %get3A_504 = arith.constant 16 : index
    %get3A_505 = tpu.vector_load %get3A_503[%get3A_504] {strides = array<i32>} : memref<128xf32, #tpu.memory_space<vmem>>, vector<16xf32>,
    %get3A_506 = vector.shape_cast %get3A_505 : vector<16xf32> to vector<16xf32>
    %neg3A_507 = arith.constant 0.000000e+00 : f32
    %neg3A_508 = vector.broadcast %neg3A_507 : f32 to vector<16xf32>
    %neg3A_509 = arith.subf %neg3A_508, %get3A_506 : vector<16xf32>
    %exp3A_510 = math.exp %neg3A_509 : vector<16xf32>
    %add3A_511 = arith.addf %broadcast_in_dim3A_78, %exp3A_510 : vector<16xf32>
    %div3A_512 = arith.divf %broadcast_in_dim3A_78, %add3A_511 : vector<16xf32>
    %select_n3A_513 = arith.select %ge3A_77, %div3A_512, %broadcast_in_dim3A_78 : vector<16xf32>
    %swap3A_514 = arith.constant 2 : i32
    %swap3A_515 = arith.constant 0 : i32
    %swap3A_516 = tpu.memref_slice %arg7[%swap3A_514, %swap3A_515] : memref<4x128xf32, #tpu.memory_space<vmem>> -> memref<1x128xf32, #tpu.memory_space<vmem>>
    %swap3A_517 = tpu.memref_squeeze %swap3A_516 : memref<1x128xf32, #tpu.memory_space<vmem>> -> memref<128xf32, #tpu.memory_space<vmem>>
    %swap3A_518 = arith.constant 16 : index
    %swap3A_519 = tpu.vector_load %swap3A_517[%swap3A_518] {strides = array<i32>} : memref<128xf32, #tpu.memory_space<vmem>>, vector<16xf32>,
    %swap3A_520 = vector.shape_cast %swap3A_519 : vector<16xf32> to vector<16xf32>
    %swap3A_521 = vector.shape_cast %select_n3A_513 : vector<16xf32> to vector<16xf32>
    tpu.vector_store %swap3A_517[%swap3A_518], %swap3A_521 {strides = array<i32>} : memref<128xf32, #tpu.memory_space<vmem>>, vector<16xf32>,
    %get3A_522 = arith.constant 2 : i32
    %get3A_523 = arith.constant 0 : i32
    %get3A_524 = tpu.memref_slice %arg7[%get3A_522, %get3A_523] : memref<4x128xf32, #tpu.memory_space<vmem>> -> memref<1x128xf32, #tpu.memory_space<vmem>>
    %get3A_525 = tpu.memref_squeeze %get3A_524 : memref<1x128xf32, #tpu.memory_space<vmem>> -> memref<128xf32, #tpu.memory_space<vmem>>
    %get3A_526 = arith.constant 32 : index
    %get3A_527 = tpu.vector_load %get3A_525[%get3A_526] {strides = array<i32>} : memref<128xf32, #tpu.memory_space<vmem>>, vector<16xf32>,
    %get3A_528 = vector.shape_cast %get3A_527 : vector<16xf32> to vector<16xf32>
    %neg3A_529 = arith.constant 0.000000e+00 : f32
    %neg3A_530 = vector.broadcast %neg3A_529 : f32 to vector<16xf32>
    %neg3A_531 = arith.subf %neg3A_530, %get3A_528 : vector<16xf32>
    %exp3A_532 = math.exp %neg3A_531 : vector<16xf32>
    %add3A_533 = arith.addf %broadcast_in_dim3A_78, %exp3A_532 : vector<16xf32>
    %div3A_534 = arith.divf %broadcast_in_dim3A_78, %add3A_533 : vector<16xf32>
    %select_n3A_535 = arith.select %ge3A_77, %div3A_534, %broadcast_in_dim3A_78 : vector<16xf32>
    %swap3A_536 = arith.constant 2 : i32
    %swap3A_537 = arith.constant 0 : i32
    %swap3A_538 = tpu.memref_slice %arg7[%swap3A_536, %swap3A_537] : memref<4x128xf32, #tpu.memory_space<vmem>> -> memref<1x128xf32, #tpu.memory_space<vmem>>
    %swap3A_539 = tpu.memref_squeeze %swap3A_538 : memref<1x128xf32, #tpu.memory_space<vmem>> -> memref<128xf32, #tpu.memory_space<vmem>>
    %swap3A_540 = arith.constant 32 : index
    %swap3A_541 = tpu.vector_load %swap3A_539[%swap3A_540] {strides = array<i32>} : memref<128xf32, #tpu.memory_space<vmem>>, vector<16xf32>,
    %swap3A_542 = vector.shape_cast %swap3A_541 : vector<16xf32> to vector<16xf32>
    %swap3A_543 = vector.shape_cast %select_n3A_535 : vector<16xf32> to vector<16xf32>
    tpu.vector_store %swap3A_539[%swap3A_540], %swap3A_543 {strides = array<i32>} : memref<128xf32, #tpu.memory_space<vmem>>, vector<16xf32>,
    %get3A_544 = arith.constant 2 : i32
    %get3A_545 = arith.constant 0 : i32
    %get3A_546 = tpu.memref_slice %arg7[%get3A_544, %get3A_545] : memref<4x128xf32, #tpu.memory_space<vmem>> -> memref<1x128xf32, #tpu.memory_space<vmem>>
    %get3A_547 = tpu.memref_squeeze %get3A_546 : memref<1x128xf32, #tpu.memory_space<vmem>> -> memref<128xf32, #tpu.memory_space<vmem>>
    %get3A_548 = arith.constant 48 : index
    %get3A_549 = tpu.vector_load %get3A_547[%get3A_548] {strides = array<i32>} : memref<128xf32, #tpu.memory_space<vmem>>, vector<16xf32>,
    %get3A_550 = vector.shape_cast %get3A_549 : vector<16xf32> to vector<16xf32>
    %neg3A_551 = arith.constant 0.000000e+00 : f32
    %neg3A_552 = vector.broadcast %neg3A_551 : f32 to vector<16xf32>
    %neg3A_553 = arith.subf %neg3A_552, %get3A_550 : vector<16xf32>
    %exp3A_554 = math.exp %neg3A_553 : vector<16xf32>
    %add3A_555 = arith.addf %broadcast_in_dim3A_78, %exp3A_554 : vector<16xf32>
    %div3A_556 = arith.divf %broadcast_in_dim3A_78, %add3A_555 : vector<16xf32>
    %select_n3A_557 = arith.select %ge3A_77, %div3A_556, %broadcast_in_dim3A_78 : vector<16xf32>
    %swap3A_558 = arith.constant 2 : i32
    %swap3A_559 = arith.constant 0 : i32
    %swap3A_560 = tpu.memref_slice %arg7[%swap3A_558, %swap3A_559] : memref<4x128xf32, #tpu.memory_space<vmem>> -> memref<1x128xf32, #tpu.memory_space<vmem>>
    %swap3A_561 = tpu.memref_squeeze %swap3A_560 : memref<1x128xf32, #tpu.memory_space<vmem>> -> memref<128xf32, #tpu.memory_space<vmem>>
    %swap3A_562 = arith.constant 48 : index
    %swap3A_563 = tpu.vector_load %swap3A_561[%swap3A_562] {strides = array<i32>} : memref<128xf32, #tpu.memory_space<vmem>>, vector<16xf32>,
    %swap3A_564 = vector.shape_cast %swap3A_563 : vector<16xf32> to vector<16xf32>
    %swap3A_565 = vector.shape_cast %select_n3A_557 : vector<16xf32> to vector<16xf32>
    tpu.vector_store %swap3A_561[%swap3A_562], %swap3A_565 {strides = array<i32>} : memref<128xf32, #tpu.memory_space<vmem>>, vector<16xf32>,
    %get3A_566 = arith.constant 2 : i32
    %get3A_567 = arith.constant 0 : i32
    %get3A_568 = tpu.memref_slice %arg7[%get3A_566, %get3A_567] : memref<4x128xf32, #tpu.memory_space<vmem>> -> memref<1x128xf32, #tpu.memory_space<vmem>>
    %get3A_569 = tpu.memref_squeeze %get3A_568 : memref<1x128xf32, #tpu.memory_space<vmem>> -> memref<128xf32, #tpu.memory_space<vmem>>
    %get3A_570 = arith.constant 64 : index
    %get3A_571 = tpu.vector_load %get3A_569[%get3A_570] {strides = array<i32>} : memref<128xf32, #tpu.memory_space<vmem>>, vector<16xf32>,
    %get3A_572 = vector.shape_cast %get3A_571 : vector<16xf32> to vector<16xf32>
    %neg3A_573 = arith.constant 0.000000e+00 : f32
    %neg3A_574 = vector.broadcast %neg3A_573 : f32 to vector<16xf32>
    %neg3A_575 = arith.subf %neg3A_574, %get3A_572 : vector<16xf32>
    %exp3A_576 = math.exp %neg3A_575 : vector<16xf32>
    %add3A_577 = arith.addf %broadcast_in_dim3A_78, %exp3A_576 : vector<16xf32>
    %div3A_578 = arith.divf %broadcast_in_dim3A_78, %add3A_577 : vector<16xf32>
    %select_n3A_579 = arith.select %ge3A_77, %div3A_578, %broadcast_in_dim3A_78 : vector<16xf32>
    %swap3A_580 = arith.constant 2 : i32
    %swap3A_581 = arith.constant 0 : i32
    %swap3A_582 = tpu.memref_slice %arg7[%swap3A_580, %swap3A_581] : memref<4x128xf32, #tpu.memory_space<vmem>> -> memref<1x128xf32, #tpu.memory_space<vmem>>
    %swap3A_583 = tpu.memref_squeeze %swap3A_582 : memref<1x128xf32, #tpu.memory_space<vmem>> -> memref<128xf32, #tpu.memory_space<vmem>>
    %swap3A_584 = arith.constant 64 : index
    %swap3A_585 = tpu.vector_load %swap3A_583[%swap3A_584] {strides = array<i32>} : memref<128xf32, #tpu.memory_space<vmem>>, vector<16xf32>,
    %swap3A_586 = vector.shape_cast %swap3A_585 : vector<16xf32> to vector<16xf32>
    %swap3A_587 = vector.shape_cast %select_n3A_579 : vector<16xf32> to vector<16xf32>
    tpu.vector_store %swap3A_583[%swap3A_584], %swap3A_587 {strides = array<i32>} : memref<128xf32, #tpu.memory_space<vmem>>, vector<16xf32>,
    %get3A_588 = arith.constant 2 : i32
    %get3A_589 = arith.constant 0 : i32
    %get3A_590 = tpu.memref_slice %arg7[%get3A_588, %get3A_589] : memref<4x128xf32, #tpu.memory_space<vmem>> -> memref<1x128xf32, #tpu.memory_space<vmem>>
    %get3A_591 = tpu.memref_squeeze %get3A_590 : memref<1x128xf32, #tpu.memory_space<vmem>> -> memref<128xf32, #tpu.memory_space<vmem>>
    %get3A_592 = arith.constant 80 : index
    %get3A_593 = tpu.vector_load %get3A_591[%get3A_592] {strides = array<i32>} : memref<128xf32, #tpu.memory_space<vmem>>, vector<16xf32>,
    %get3A_594 = vector.shape_cast %get3A_593 : vector<16xf32> to vector<16xf32>
    %neg3A_595 = arith.constant 0.000000e+00 : f32
    %neg3A_596 = vector.broadcast %neg3A_595 : f32 to vector<16xf32>
    %neg3A_597 = arith.subf %neg3A_596, %get3A_594 : vector<16xf32>
    %exp3A_598 = math.exp %neg3A_597 : vector<16xf32>
    %add3A_599 = arith.addf %broadcast_in_dim3A_78, %exp3A_598 : vector<16xf32>
    %div3A_600 = arith.divf %broadcast_in_dim3A_78, %add3A_599 : vector<16xf32>
    %select_n3A_601 = arith.select %ge3A_77, %div3A_600, %broadcast_in_dim3A_78 : vector<16xf32>
    %swap3A_602 = arith.constant 2 : i32
    %swap3A_603 = arith.constant 0 : i32
    %swap3A_604 = tpu.memref_slice %arg7[%swap3A_602, %swap3A_603] : memref<4x128xf32, #tpu.memory_space<vmem>> -> memref<1x128xf32, #tpu.memory_space<vmem>>
    %swap3A_605 = tpu.memref_squeeze %swap3A_604 : memref<1x128xf32, #tpu.memory_space<vmem>> -> memref<128xf32, #tpu.memory_space<vmem>>
    %swap3A_606 = arith.constant 80 : index
    %swap3A_607 = tpu.vector_load %swap3A_605[%swap3A_606] {strides = array<i32>} : memref<128xf32, #tpu.memory_space<vmem>>, vector<16xf32>,
    %swap3A_608 = vector.shape_cast %swap3A_607 : vector<16xf32> to vector<16xf32>
    %swap3A_609 = vector.shape_cast %select_n3A_601 : vector<16xf32> to vector<16xf32>
    tpu.vector_store %swap3A_605[%swap3A_606], %swap3A_609 {strides = array<i32>} : memref<128xf32, #tpu.memory_space<vmem>>, vector<16xf32>,
    %get3A_610 = arith.constant 2 : i32
    %get3A_611 = arith.constant 0 : i32
    %get3A_612 = tpu.memref_slice %arg7[%get3A_610, %get3A_611] : memref<4x128xf32, #tpu.memory_space<vmem>> -> memref<1x128xf32, #tpu.memory_space<vmem>>
    %get3A_613 = tpu.memref_squeeze %get3A_612 : memref<1x128xf32, #tpu.memory_space<vmem>> -> memref<128xf32, #tpu.memory_space<vmem>>
    %get3A_614 = arith.constant 96 : index
    %get3A_615 = tpu.vector_load %get3A_613[%get3A_614] {strides = array<i32>} : memref<128xf32, #tpu.memory_space<vmem>>, vector<16xf32>,
    %get3A_616 = vector.shape_cast %get3A_615 : vector<16xf32> to vector<16xf32>
    %neg3A_617 = arith.constant 0.000000e+00 : f32
    %neg3A_618 = vector.broadcast %neg3A_617 : f32 to vector<16xf32>
    %neg3A_619 = arith.subf %neg3A_618, %get3A_616 : vector<16xf32>
    %exp3A_620 = math.exp %neg3A_619 : vector<16xf32>
    %add3A_621 = arith.addf %broadcast_in_dim3A_78, %exp3A_620 : vector<16xf32>
    %div3A_622 = arith.divf %broadcast_in_dim3A_78, %add3A_621 : vector<16xf32>
    %select_n3A_623 = arith.select %ge3A_77, %div3A_622, %broadcast_in_dim3A_78 : vector<16xf32>
    %swap3A_624 = arith.constant 2 : i32
    %swap3A_625 = arith.constant 0 : i32
    %swap3A_626 = tpu.memref_slice %arg7[%swap3A_624, %swap3A_625] : memref<4x128xf32, #tpu.memory_space<vmem>> -> memref<1x128xf32, #tpu.memory_space<vmem>>
    %swap3A_627 = tpu.memref_squeeze %swap3A_626 : memref<1x128xf32, #tpu.memory_space<vmem>> -> memref<128xf32, #tpu.memory_space<vmem>>
    %swap3A_628 = arith.constant 96 : index
    %swap3A_629 = tpu.vector_load %swap3A_627[%swap3A_628] {strides = array<i32>} : memref<128xf32, #tpu.memory_space<vmem>>, vector<16xf32>,
    %swap3A_630 = vector.shape_cast %swap3A_629 : vector<16xf32> to vector<16xf32>
    %swap3A_631 = vector.shape_cast %select_n3A_623 : vector<16xf32> to vector<16xf32>
    tpu.vector_store %swap3A_627[%swap3A_628], %swap3A_631 {strides = array<i32>} : memref<128xf32, #tpu.memory_space<vmem>>, vector<16xf32>,
    %get3A_632 = arith.constant 2 : i32
    %get3A_633 = arith.constant 0 : i32
    %get3A_634 = tpu.memref_slice %arg7[%get3A_632, %get3A_633] : memref<4x128xf32, #tpu.memory_space<vmem>> -> memref<1x128xf32, #tpu.memory_space<vmem>>
    %get3A_635 = tpu.memref_squeeze %get3A_634 : memref<1x128xf32, #tpu.memory_space<vmem>> -> memref<128xf32, #tpu.memory_space<vmem>>
    %get3A_636 = arith.constant 112 : index
    %get3A_637 = tpu.vector_load %get3A_635[%get3A_636] {strides = array<i32>} : memref<128xf32, #tpu.memory_space<vmem>>, vector<16xf32>,
    %get3A_638 = vector.shape_cast %get3A_637 : vector<16xf32> to vector<16xf32>
    %neg3A_639 = arith.constant 0.000000e+00 : f32
    %neg3A_640 = vector.broadcast %neg3A_639 : f32 to vector<16xf32>
    %neg3A_641 = arith.subf %neg3A_640, %get3A_638 : vector<16xf32>
    %exp3A_642 = math.exp %neg3A_641 : vector<16xf32>
    %add3A_643 = arith.addf %broadcast_in_dim3A_78, %exp3A_642 : vector<16xf32>
    %div3A_644 = arith.divf %broadcast_in_dim3A_78, %add3A_643 : vector<16xf32>
    %select_n3A_645 = arith.select %ge3A_77, %div3A_644, %broadcast_in_dim3A_78 : vector<16xf32>
    %swap3A_646 = arith.constant 2 : i32
    %swap3A_647 = arith.constant 0 : i32
    %swap3A_648 = tpu.memref_slice %arg7[%swap3A_646, %swap3A_647] : memref<4x128xf32, #tpu.memory_space<vmem>> -> memref<1x128xf32, #tpu.memory_space<vmem>>
    %swap3A_649 = tpu.memref_squeeze %swap3A_648 : memref<1x128xf32, #tpu.memory_space<vmem>> -> memref<128xf32, #tpu.memory_space<vmem>>
    %swap3A_650 = arith.constant 112 : index
    %swap3A_651 = tpu.vector_load %swap3A_649[%swap3A_650] {strides = array<i32>} : memref<128xf32, #tpu.memory_space<vmem>>, vector<16xf32>,
    %swap3A_652 = vector.shape_cast %swap3A_651 : vector<16xf32> to vector<16xf32>
    %swap3A_653 = vector.shape_cast %select_n3A_645 : vector<16xf32> to vector<16xf32>
    tpu.vector_store %swap3A_649[%swap3A_650], %swap3A_653 {strides = array<i32>} : memref<128xf32, #tpu.memory_space<vmem>>, vector<16xf32>,
    %get3A_654 = arith.constant 3 : i32
    %get3A_655 = arith.constant 0 : i32
    %get3A_656 = tpu.memref_slice %arg7[%get3A_654, %get3A_655] : memref<4x128xf32, #tpu.memory_space<vmem>> -> memref<1x128xf32, #tpu.memory_space<vmem>>
    %get3A_657 = tpu.memref_squeeze %get3A_656 : memref<1x128xf32, #tpu.memory_space<vmem>> -> memref<128xf32, #tpu.memory_space<vmem>>
    %get3A_658 = arith.constant 0 : index
    %get3A_659 = tpu.vector_load %get3A_657[%get3A_658] {strides = array<i32>} : memref<128xf32, #tpu.memory_space<vmem>>, vector<16xf32>,
    %get3A_660 = vector.shape_cast %get3A_659 : vector<16xf32> to vector<16xf32>
    %neg3A_661 = arith.constant 0.000000e+00 : f32
    %neg3A_662 = vector.broadcast %neg3A_661 : f32 to vector<16xf32>
    %neg3A_663 = arith.subf %neg3A_662, %get3A_660 : vector<16xf32>
    %exp3A_664 = math.exp %neg3A_663 : vector<16xf32>
    %add3A_665 = arith.addf %broadcast_in_dim3A_78, %exp3A_664 : vector<16xf32>
    %div3A_666 = arith.divf %broadcast_in_dim3A_78, %add3A_665 : vector<16xf32>
    %select_n3A_667 = arith.select %ge3A_77, %div3A_666, %broadcast_in_dim3A_78 : vector<16xf32>
    %swap3A_668 = arith.constant 3 : i32
    %swap3A_669 = arith.constant 0 : i32
    %swap3A_670 = tpu.memref_slice %arg7[%swap3A_668, %swap3A_669] : memref<4x128xf32, #tpu.memory_space<vmem>> -> memref<1x128xf32, #tpu.memory_space<vmem>>
    %swap3A_671 = tpu.memref_squeeze %swap3A_670 : memref<1x128xf32, #tpu.memory_space<vmem>> -> memref<128xf32, #tpu.memory_space<vmem>>
    %swap3A_672 = arith.constant 0 : index
    %swap3A_673 = tpu.vector_load %swap3A_671[%swap3A_672] {strides = array<i32>} : memref<128xf32, #tpu.memory_space<vmem>>, vector<16xf32>,
    %swap3A_674 = vector.shape_cast %swap3A_673 : vector<16xf32> to vector<16xf32>
    %swap3A_675 = vector.shape_cast %select_n3A_667 : vector<16xf32> to vector<16xf32>
    tpu.vector_store %swap3A_671[%swap3A_672], %swap3A_675 {strides = array<i32>} : memref<128xf32, #tpu.memory_space<vmem>>, vector<16xf32>,
    %get3A_676 = arith.constant 3 : i32
    %get3A_677 = arith.constant 0 : i32
    %get3A_678 = tpu.memref_slice %arg7[%get3A_676, %get3A_677] : memref<4x128xf32, #tpu.memory_space<vmem>> -> memref<1x128xf32, #tpu.memory_space<vmem>>
    %get3A_679 = tpu.memref_squeeze %get3A_678 : memref<1x128xf32, #tpu.memory_space<vmem>> -> memref<128xf32, #tpu.memory_space<vmem>>
    %get3A_680 = arith.constant 16 : index
    %get3A_681 = tpu.vector_load %get3A_679[%get3A_680] {strides = array<i32>} : memref<128xf32, #tpu.memory_space<vmem>>, vector<16xf32>,
    %get3A_682 = vector.shape_cast %get3A_681 : vector<16xf32> to vector<16xf32>
    %neg3A_683 = arith.constant 0.000000e+00 : f32
    %neg3A_684 = vector.broadcast %neg3A_683 : f32 to vector<16xf32>
    %neg3A_685 = arith.subf %neg3A_684, %get3A_682 : vector<16xf32>
    %exp3A_686 = math.exp %neg3A_685 : vector<16xf32>
    %add3A_687 = arith.addf %broadcast_in_dim3A_78, %exp3A_686 : vector<16xf32>
    %div3A_688 = arith.divf %broadcast_in_dim3A_78, %add3A_687 : vector<16xf32>
    %select_n3A_689 = arith.select %ge3A_77, %div3A_688, %broadcast_in_dim3A_78 : vector<16xf32>
    %swap3A_690 = arith.constant 3 : i32
    %swap3A_691 = arith.constant 0 : i32
    %swap3A_692 = tpu.memref_slice %arg7[%swap3A_690, %swap3A_691] : memref<4x128xf32, #tpu.memory_space<vmem>> -> memref<1x128xf32, #tpu.memory_space<vmem>>
    %swap3A_693 = tpu.memref_squeeze %swap3A_692 : memref<1x128xf32, #tpu.memory_space<vmem>> -> memref<128xf32, #tpu.memory_space<vmem>>
    %swap3A_694 = arith.constant 16 : index
    %swap3A_695 = tpu.vector_load %swap3A_693[%swap3A_694] {strides = array<i32>} : memref<128xf32, #tpu.memory_space<vmem>>, vector<16xf32>,
    %swap3A_696 = vector.shape_cast %swap3A_695 : vector<16xf32> to vector<16xf32>
    %swap3A_697 = vector.shape_cast %select_n3A_689 : vector<16xf32> to vector<16xf32>
    tpu.vector_store %swap3A_693[%swap3A_694], %swap3A_697 {strides = array<i32>} : memref<128xf32, #tpu.memory_space<vmem>>, vector<16xf32>,
    %get3A_698 = arith.constant 3 : i32
    %get3A_699 = arith.constant 0 : i32
    %get3A_700 = tpu.memref_slice %arg7[%get3A_698, %get3A_699] : memref<4x128xf32, #tpu.memory_space<vmem>> -> memref<1x128xf32, #tpu.memory_space<vmem>>
    %get3A_701 = tpu.memref_squeeze %get3A_700 : memref<1x128xf32, #tpu.memory_space<vmem>> -> memref<128xf32, #tpu.memory_space<vmem>>
    %get3A_702 = arith.constant 32 : index
    %get3A_703 = tpu.vector_load %get3A_701[%get3A_702] {strides = array<i32>} : memref<128xf32, #tpu.memory_space<vmem>>, vector<16xf32>,
    %get3A_704 = vector.shape_cast %get3A_703 : vector<16xf32> to vector<16xf32>
    %neg3A_705 = arith.constant 0.000000e+00 : f32
    %neg3A_706 = vector.broadcast %neg3A_705 : f32 to vector<16xf32>
    %neg3A_707 = arith.subf %neg3A_706, %get3A_704 : vector<16xf32>
    %exp3A_708 = math.exp %neg3A_707 : vector<16xf32>
    %add3A_709 = arith.addf %broadcast_in_dim3A_78, %exp3A_708 : vector<16xf32>
    %div3A_710 = arith.divf %broadcast_in_dim3A_78, %add3A_709 : vector<16xf32>
    %select_n3A_711 = arith.select %ge3A_77, %div3A_710, %broadcast_in_dim3A_78 : vector<16xf32>
    %swap3A_712 = arith.constant 3 : i32
    %swap3A_713 = arith.constant 0 : i32
    %swap3A_714 = tpu.memref_slice %arg7[%swap3A_712, %swap3A_713] : memref<4x128xf32, #tpu.memory_space<vmem>> -> memref<1x128xf32, #tpu.memory_space<vmem>>
    %swap3A_715 = tpu.memref_squeeze %swap3A_714 : memref<1x128xf32, #tpu.memory_space<vmem>> -> memref<128xf32, #tpu.memory_space<vmem>>
    %swap3A_716 = arith.constant 32 : index
    %swap3A_717 = tpu.vector_load %swap3A_715[%swap3A_716] {strides = array<i32>} : memref<128xf32, #tpu.memory_space<vmem>>, vector<16xf32>,
    %swap3A_718 = vector.shape_cast %swap3A_717 : vector<16xf32> to vector<16xf32>
    %swap3A_719 = vector.shape_cast %select_n3A_711 : vector<16xf32> to vector<16xf32>
    tpu.vector_store %swap3A_715[%swap3A_716], %swap3A_719 {strides = array<i32>} : memref<128xf32, #tpu.memory_space<vmem>>, vector<16xf32>,
    %get3A_720 = arith.constant 3 : i32
    %get3A_721 = arith.constant 0 : i32
    %get3A_722 = tpu.memref_slice %arg7[%get3A_720, %get3A_721] : memref<4x128xf32, #tpu.memory_space<vmem>> -> memref<1x128xf32, #tpu.memory_space<vmem>>
    %get3A_723 = tpu.memref_squeeze %get3A_722 : memref<1x128xf32, #tpu.memory_space<vmem>> -> memref<128xf32, #tpu.memory_space<vmem>>
    %get3A_724 = arith.constant 48 : index
    %get3A_725 = tpu.vector_load %get3A_723[%get3A_724] {strides = array<i32>} : memref<128xf32, #tpu.memory_space<vmem>>, vector<16xf32>,
    %get3A_726 = vector.shape_cast %get3A_725 : vector<16xf32> to vector<16xf32>
    %neg3A_727 = arith.constant 0.000000e+00 : f32
    %neg3A_728 = vector.broadcast %neg3A_727 : f32 to vector<16xf32>
    %neg3A_729 = arith.subf %neg3A_728, %get3A_726 : vector<16xf32>
    %exp3A_730 = math.exp %neg3A_729 : vector<16xf32>
    %add3A_731 = arith.addf %broadcast_in_dim3A_78, %exp3A_730 : vector<16xf32>
    %div3A_732 = arith.divf %broadcast_in_dim3A_78, %add3A_731 : vector<16xf32>
    %select_n3A_733 = arith.select %ge3A_77, %div3A_732, %broadcast_in_dim3A_78 : vector<16xf32>
    %swap3A_734 = arith.constant 3 : i32
    %swap3A_735 = arith.constant 0 : i32
    %swap3A_736 = tpu.memref_slice %arg7[%swap3A_734, %swap3A_735] : memref<4x128xf32, #tpu.memory_space<vmem>> -> memref<1x128xf32, #tpu.memory_space<vmem>>
    %swap3A_737 = tpu.memref_squeeze %swap3A_736 : memref<1x128xf32, #tpu.memory_space<vmem>> -> memref<128xf32, #tpu.memory_space<vmem>>
    %swap3A_738 = arith.constant 48 : index
    %swap3A_739 = tpu.vector_load %swap3A_737[%swap3A_738] {strides = array<i32>} : memref<128xf32, #tpu.memory_space<vmem>>, vector<16xf32>,
    %swap3A_740 = vector.shape_cast %swap3A_739 : vector<16xf32> to vector<16xf32>
    %swap3A_741 = vector.shape_cast %select_n3A_733 : vector<16xf32> to vector<16xf32>
    tpu.vector_store %swap3A_737[%swap3A_738], %swap3A_741 {strides = array<i32>} : memref<128xf32, #tpu.memory_space<vmem>>, vector<16xf32>,
    %get3A_742 = arith.constant 3 : i32
    %get3A_743 = arith.constant 0 : i32
    %get3A_744 = tpu.memref_slice %arg7[%get3A_742, %get3A_743] : memref<4x128xf32, #tpu.memory_space<vmem>> -> memref<1x128xf32, #tpu.memory_space<vmem>>
    %get3A_745 = tpu.memref_squeeze %get3A_744 : memref<1x128xf32, #tpu.memory_space<vmem>> -> memref<128xf32, #tpu.memory_space<vmem>>
    %get3A_746 = arith.constant 64 : index
    %get3A_747 = tpu.vector_load %get3A_745[%get3A_746] {strides = array<i32>} : memref<128xf32, #tpu.memory_space<vmem>>, vector<16xf32>,
    %get3A_748 = vector.shape_cast %get3A_747 : vector<16xf32> to vector<16xf32>
    %neg3A_749 = arith.constant 0.000000e+00 : f32
    %neg3A_750 = vector.broadcast %neg3A_749 : f32 to vector<16xf32>
    %neg3A_751 = arith.subf %neg3A_750, %get3A_748 : vector<16xf32>
    %exp3A_752 = math.exp %neg3A_751 : vector<16xf32>
    %add3A_753 = arith.addf %broadcast_in_dim3A_78, %exp3A_752 : vector<16xf32>
    %div3A_754 = arith.divf %broadcast_in_dim3A_78, %add3A_753 : vector<16xf32>
    %select_n3A_755 = arith.select %ge3A_77, %div3A_754, %broadcast_in_dim3A_78 : vector<16xf32>
    %swap3A_756 = arith.constant 3 : i32
    %swap3A_757 = arith.constant 0 : i32
    %swap3A_758 = tpu.memref_slice %arg7[%swap3A_756, %swap3A_757] : memref<4x128xf32, #tpu.memory_space<vmem>> -> memref<1x128xf32, #tpu.memory_space<vmem>>
    %swap3A_759 = tpu.memref_squeeze %swap3A_758 : memref<1x128xf32, #tpu.memory_space<vmem>> -> memref<128xf32, #tpu.memory_space<vmem>>
    %swap3A_760 = arith.constant 64 : index
    %swap3A_761 = tpu.vector_load %swap3A_759[%swap3A_760] {strides = array<i32>} : memref<128xf32, #tpu.memory_space<vmem>>, vector<16xf32>,
    %swap3A_762 = vector.shape_cast %swap3A_761 : vector<16xf32> to vector<16xf32>
    %swap3A_763 = vector.shape_cast %select_n3A_755 : vector<16xf32> to vector<16xf32>
    tpu.vector_store %swap3A_759[%swap3A_760], %swap3A_763 {strides = array<i32>} : memref<128xf32, #tpu.memory_space<vmem>>, vector<16xf32>,
    %get3A_764 = arith.constant 3 : i32
    %get3A_765 = arith.constant 0 : i32
    %get3A_766 = tpu.memref_slice %arg7[%get3A_764, %get3A_765] : memref<4x128xf32, #tpu.memory_space<vmem>> -> memref<1x128xf32, #tpu.memory_space<vmem>>
    %get3A_767 = tpu.memref_squeeze %get3A_766 : memref<1x128xf32, #tpu.memory_space<vmem>> -> memref<128xf32, #tpu.memory_space<vmem>>
    %get3A_768 = arith.constant 80 : index
    %get3A_769 = tpu.vector_load %get3A_767[%get3A_768] {strides = array<i32>} : memref<128xf32, #tpu.memory_space<vmem>>, vector<16xf32>,
    %get3A_770 = vector.shape_cast %get3A_769 : vector<16xf32> to vector<16xf32>
    %neg3A_771 = arith.constant 0.000000e+00 : f32
    %neg3A_772 = vector.broadcast %neg3A_771 : f32 to vector<16xf32>
    %neg3A_773 = arith.subf %neg3A_772, %get3A_770 : vector<16xf32>
    %exp3A_774 = math.exp %neg3A_773 : vector<16xf32>
    %add3A_775 = arith.addf %broadcast_in_dim3A_78, %exp3A_774 : vector<16xf32>
    %div3A_776 = arith.divf %broadcast_in_dim3A_78, %add3A_775 : vector<16xf32>
    %select_n3A_777 = arith.select %ge3A_77, %div3A_776, %broadcast_in_dim3A_78 : vector<16xf32>
    %swap3A_778 = arith.constant 3 : i32
    %swap3A_779 = arith.constant 0 : i32
    %swap3A_780 = tpu.memref_slice %arg7[%swap3A_778, %swap3A_779] : memref<4x128xf32, #tpu.memory_space<vmem>> -> memref<1x128xf32, #tpu.memory_space<vmem>>
    %swap3A_781 = tpu.memref_squeeze %swap3A_780 : memref<1x128xf32, #tpu.memory_space<vmem>> -> memref<128xf32, #tpu.memory_space<vmem>>
    %swap3A_782 = arith.constant 80 : index
    %swap3A_783 = tpu.vector_load %swap3A_781[%swap3A_782] {strides = array<i32>} : memref<128xf32, #tpu.memory_space<vmem>>, vector<16xf32>,
    %swap3A_784 = vector.shape_cast %swap3A_783 : vector<16xf32> to vector<16xf32>
    %swap3A_785 = vector.shape_cast %select_n3A_777 : vector<16xf32> to vector<16xf32>
    tpu.vector_store %swap3A_781[%swap3A_782], %swap3A_785 {strides = array<i32>} : memref<128xf32, #tpu.memory_space<vmem>>, vector<16xf32>,
    %get3A_786 = arith.constant 3 : i32
    %get3A_787 = arith.constant 0 : i32
    %get3A_788 = tpu.memref_slice %arg7[%get3A_786, %get3A_787] : memref<4x128xf32, #tpu.memory_space<vmem>> -> memref<1x128xf32, #tpu.memory_space<vmem>>
    %get3A_789 = tpu.memref_squeeze %get3A_788 : memref<1x128xf32, #tpu.memory_space<vmem>> -> memref<128xf32, #tpu.memory_space<vmem>>
    %get3A_790 = arith.constant 96 : index
    %get3A_791 = tpu.vector_load %get3A_789[%get3A_790] {strides = array<i32>} : memref<128xf32, #tpu.memory_space<vmem>>, vector<16xf32>,
    %get3A_792 = vector.shape_cast %get3A_791 : vector<16xf32> to vector<16xf32>
    %neg3A_793 = arith.constant 0.000000e+00 : f32
    %neg3A_794 = vector.broadcast %neg3A_793 : f32 to vector<16xf32>
    %neg3A_795 = arith.subf %neg3A_794, %get3A_792 : vector<16xf32>
    %exp3A_796 = math.exp %neg3A_795 : vector<16xf32>
    %add3A_797 = arith.addf %broadcast_in_dim3A_78, %exp3A_796 : vector<16xf32>
    %div3A_798 = arith.divf %broadcast_in_dim3A_78, %add3A_797 : vector<16xf32>
    %select_n3A_799 = arith.select %ge3A_77, %div3A_798, %broadcast_in_dim3A_78 : vector<16xf32>
    %swap3A_800 = arith.constant 3 : i32
    %swap3A_801 = arith.constant 0 : i32
    %swap3A_802 = tpu.memref_slice %arg7[%swap3A_800, %swap3A_801] : memref<4x128xf32, #tpu.memory_space<vmem>> -> memref<1x128xf32, #tpu.memory_space<vmem>>
    %swap3A_803 = tpu.memref_squeeze %swap3A_802 : memref<1x128xf32, #tpu.memory_space<vmem>> -> memref<128xf32, #tpu.memory_space<vmem>>
    %swap3A_804 = arith.constant 96 : index
    %swap3A_805 = tpu.vector_load %swap3A_803[%swap3A_804] {strides = array<i32>} : memref<128xf32, #tpu.memory_space<vmem>>, vector<16xf32>,
    %swap3A_806 = vector.shape_cast %swap3A_805 : vector<16xf32> to vector<16xf32>
    %swap3A_807 = vector.shape_cast %select_n3A_799 : vector<16xf32> to vector<16xf32>
    tpu.vector_store %swap3A_803[%swap3A_804], %swap3A_807 {strides = array<i32>} : memref<128xf32, #tpu.memory_space<vmem>>, vector<16xf32>,
    %get3A_808 = arith.constant 3 : i32
    %get3A_809 = arith.constant 0 : i32
    %get3A_810 = tpu.memref_slice %arg7[%get3A_808, %get3A_809] : memref<4x128xf32, #tpu.memory_space<vmem>> -> memref<1x128xf32, #tpu.memory_space<vmem>>
    %get3A_811 = tpu.memref_squeeze %get3A_810 : memref<1x128xf32, #tpu.memory_space<vmem>> -> memref<128xf32, #tpu.memory_space<vmem>>
    %get3A_812 = arith.constant 112 : index
    %get3A_813 = tpu.vector_load %get3A_811[%get3A_812] {strides = array<i32>} : memref<128xf32, #tpu.memory_space<vmem>>, vector<16xf32>,
    %get3A_814 = vector.shape_cast %get3A_813 : vector<16xf32> to vector<16xf32>
    %neg3A_815 = arith.constant 0.000000e+00 : f32
    %neg3A_816 = vector.broadcast %neg3A_815 : f32 to vector<16xf32>
    %neg3A_817 = arith.subf %neg3A_816, %get3A_814 : vector<16xf32>
    %exp3A_818 = math.exp %neg3A_817 : vector<16xf32>
    %add3A_819 = arith.addf %broadcast_in_dim3A_78, %exp3A_818 : vector<16xf32>
    %div3A_820 = arith.divf %broadcast_in_dim3A_78, %add3A_819 : vector<16xf32>
    %select_n3A_821 = arith.select %ge3A_77, %div3A_820, %broadcast_in_dim3A_78 : vector<16xf32>
    %swap3A_822 = arith.constant 3 : i32
    %swap3A_823 = arith.constant 0 : i32
    %swap3A_824 = tpu.memref_slice %arg7[%swap3A_822, %swap3A_823] : memref<4x128xf32, #tpu.memory_space<vmem>> -> memref<1x128xf32, #tpu.memory_space<vmem>>
    %swap3A_825 = tpu.memref_squeeze %swap3A_824 : memref<1x128xf32, #tpu.memory_space<vmem>> -> memref<128xf32, #tpu.memory_space<vmem>>
    %swap3A_826 = arith.constant 112 : index
    %swap3A_827 = tpu.vector_load %swap3A_825[%swap3A_826] {strides = array<i32>} : memref<128xf32, #tpu.memory_space<vmem>>, vector<16xf32>,
    %swap3A_828 = vector.shape_cast %swap3A_827 : vector<16xf32> to vector<16xf32>
    %swap3A_829 = vector.shape_cast %select_n3A_821 : vector<16xf32> to vector<16xf32>
    tpu.vector_store %swap3A_825[%swap3A_826], %swap3A_829 {strides = array<i32>} : memref<128xf32, #tpu.memory_space<vmem>>, vector<16xf32>,
    "tpu.region"() ({
      %run_scoped3A = tpu.sem_alloc : memref<!tpu.dma_semaphore, #tpu.memory_space<semaphore_mem>>
      %dma_start3A_830 = arith.constant 0 : i32
      %dma_start3A_831 = arith.constant 0 : i32
      %dma_start3A_832 = tpu.memref_slice %arg5[%add3A, %dma_start3A_830, %dma_start3A_831] : memref<32x4x128xf32, #tpu.memory_space<hbm>> -> memref<1x4x128xf32, #tpu.memory_space<hbm>>
      %dma_start3A_833 = tpu.memref_squeeze %dma_start3A_832 : memref<1x4x128xf32, #tpu.memory_space<hbm>> -> memref<4x128xf32, #tpu.memory_space<hbm>>
      %dma_start3A_834 = arith.constant 0 : i32
      %dma_start3A_835 = arith.constant 0 : i32
      %dma_start3A_836 = tpu.memref_slice %arg5[%add3A, %dma_start3A_834, %dma_start3A_835] : memref<32x4x128xf32, #tpu.memory_space<hbm>> -> memref<1x4x128xf32, #tpu.memory_space<hbm>>
      %dma_start3A_837 = tpu.memref_squeeze %dma_start3A_836 : memref<1x4x128xf32, #tpu.memory_space<hbm>> -> memref<4x128xf32, #tpu.memory_space<hbm>>
      tpu.enqueue_dma source(%arg7 : memref<4x128xf32, #tpu.memory_space<vmem>>) target(%dma_start3A_837 : memref<4x128xf32, #tpu.memory_space<hbm>>) target_semaphore(%run_scoped3A : memref<!tpu.dma_semaphore, #tpu.memory_space<semaphore_mem>>)
      %dma_wait3A_838 = arith.constant 0 : i32
      %dma_wait3A_839 = arith.constant 0 : i32
      %dma_wait3A_840 = tpu.memref_slice %arg5[%add3A, %dma_wait3A_838, %dma_wait3A_839] : memref<32x4x128xf32, #tpu.memory_space<hbm>> -> memref<1x4x128xf32, #tpu.memory_space<hbm>>
      %dma_wait3A_841 = tpu.memref_squeeze %dma_wait3A_840 : memref<1x4x128xf32, #tpu.memory_space<hbm>> -> memref<4x128xf32, #tpu.memory_space<hbm>>
      %dma_wait3A_842 = arith.constant 0 : i32
      %dma_wait3A_843 = arith.constant 0 : i32
      %dma_wait3A_844 = tpu.memref_slice %arg5[%add3A, %dma_wait3A_842, %dma_wait3A_843] : memref<32x4x128xf32, #tpu.memory_space<hbm>> -> memref<1x4x128xf32, #tpu.memory_space<hbm>>
      %dma_wait3A_845 = tpu.memref_squeeze %dma_wait3A_844 : memref<1x4x128xf32, #tpu.memory_space<hbm>> -> memref<4x128xf32, #tpu.memory_space<hbm>>
      tpu.wait_dma2 semaphore(%run_scoped3A : memref<!tpu.dma_semaphore, #tpu.memory_space<semaphore_mem>>) src(%arg7 : memref<4x128xf32, #tpu.memory_space<vmem>>) dst(%dma_wait3A_845 : memref<4x128xf32, #tpu.memory_space<hbm>>)
      tpu.yield
    }) : () -> ()
    return
  }
}

</mosaic_0001>

<sc_bundles>
// kernel: kernel.3.cloned.1.call-start
scs
__scs_entry_jumppad:
0x0: {  	(pc) =	sbr.rel $0x88, $3  }
0x1: {  	(tag) =	ssettag $0x0;
	lr =	simm.s32 $0x1  }
0x2: {  	[smem:$0x3F9E] =	sst lr;
	_ =	strace $0xD0000000  }
0x3: {  	_ = 	snop  }
0x4: {  	_ = 	snop  }
0x5: {  	_ = 	snop  }
0x6: {  	_ = 	snop  }
0x7: {  	_ = 	snop  }
__scs_overlays_trampoline_lowered:
0x8: {  	[smem:$0x3FAD] =	sst s0  }
0x9: {  	[smem:$0x3FAE] =	sst s1  }
0xa: {  	[smem:$0x3FAF] =	sst s2  }
0xb: {  	[smem:$0x3FB0] =	sst s3  }
0xc: {  	[smem:$0x3FB1] =	sst s4  }
0xd: {  	[smem:$0x3FB2] =	sst s5  }
0xe: {  	[smem:$0x3FB3] =	sst s6  }
0xf: {  	[smem:$0x3FB4] =	sst s7  }
0x10: {  	[smem:$0x3FB5] =	sst s8  }
0x11: {  	[smem:$0x3FB6] =	sst s9;
	s0 =	simm.s32 @!p0 $0x0  }
0x12: {  	s1 =	sld [smem:$0x3F9C];
	s0 =	simm.s32 @p0 $0x1  }
0x13: {  	[smem:$0x3FB7] =	sst s0;
	s0 =	simm.s32 @!p1 $0x0  }
0x14: {  	s2 =	sld [smem:$0x3F9B];
	s0 =	simm.s32 @p1 $0x1  }
0x15: {  	[smem:$0x3FB8] =	sst s0;
	s0 =	simm.s32 @!p2 $0x0  }
0x16: {  	s3 =	sld [smem:$0x3FDB];
	s0 =	simm.s32 @p2 $0x1  }
0x17: {  	s4 =	simm.s32 $0x1BF5;
	[smem:$0x3FBA] =	sst s0  }
0x18: {  	s0 =	sld [smem:$0x3F9D];
	_ =	swait.ge [sflag:s4], $0x0  }
0x19: {  	s7 =	sld [smem:$0x3F9E]  }
0x1a: {  	s8 =	sadd.s32 $0xFFFFE003, lr  }
0x1b: {  	s9 =	sadd.s32 $0xFFFFFEF7, lr;
	s5 =	simm.s32 $0xFFFFFFFF;
	p2 =	slt.u32 s8, $0xFFFFF086  }
0x1c: {  	p1 =	slt.u32 s9, $0xF7A;
	s5 =	simm.s32 @!p2 $0x0  }
0x1d: {  	s5 =	simm.s32 @p1 $0x1;
	p0 =	seq.s32 s7, s2  }
0x1e: {  	s7 =	smul.u32 @!p0 $0xF7A, s2;
	p2 =	seq.s32 @!p0 s5, $0x0  }
0x1f: {  	s9 =	smul.u32 $0xF7A, s1;
	s8 =	simm.s32 @!p0 $0x1BF5;
	p2 =	por !p2, p0  }
0x20: {  	[sflag:s8] =	ssyncset.s32 @!p0 $0xFFFFF086;
	s6 =	sadd.s32 @!p0 s3, s7;
	s7 =	simm.s32 @!p0 $0x108  }
0x21: {  	s3 =	sadd.s32 s3, s9;
	s6 =	sadd.s32 @!p0 $0x88, s6;
	s7 =	simm.s32 @p2 $0x1082  }
0x22: {  	[simem:s7], [sflag:s8] =	dma.local @!p0 [hbm:s6], $0xF7A  }
0x23: {  	s9 =	sor.u32 $0xD0000000, s2;
	s6 =	simm.s32 $0x108;
	_ =	swait.ge @!p0 [sflag:s8], $0x0  }
0x24: {  	s3 =	sadd.s32 $0x88, s3;
	s6 =	simm.s32 @!p1 $0x1082;
	[sflag:s4] =	ssyncset.s32 $0xFFFFF086  }
0x25: {  	[simem:s6], [sflag:s4] =	dma.local [hbm:s3], $0xF7A  }
0x26: {  	[smem:$0x3F9E] =	sst s1;
	(tag) =	ssettag s2;
	_ =	strace s9  }
0x27: {  	s1 =	sld [smem:$0x3FAE]  }
0x28: {  	s2 =	sld [smem:$0x3FAF]  }
0x29: {  	s4 =	sld [smem:$0x3FB1]  }
0x2a: {  	p0 =	seq.s32 s5, $0x0;
	s5 =	sld [smem:$0x3FB2]  }
0x2b: {  	s6 =	sld [smem:$0x3FB3]  }
0x2c: {  	s7 =	sld [smem:$0x3FB4]  }
0x2d: {  	s3 =	simm.s32 $0x108;
	s8 =	sld [smem:$0x3FB5]  }
0x2e: {  	s3 =	simm.s32 @!p0 $0x1082;
	s9 =	sld [smem:$0x3FB6]  }
0x2f: {  	lr =	sadd.s32 s0, s3;
	s0 =	sld [smem:$0x3FAD]  }
0x30: {  	s3 =	sld [smem:$0x3FB0]  }
0x31: {  	[smem:$0x3FB9] =	sst s10  }
0x32: {  	s10 =	sld [smem:$0x3FB7];
	_ =	sdelay $0x3  }
0x33: {  	p0 =	seq.s32 s10, $0x1;
	s10 =	sld [smem:$0x3FB9];
	_ =	sdelay $0x3  }
0x34: {  	[smem:$0x3FB9] =	sst s10  }
0x35: {  	s10 =	sld [smem:$0x3FB8];
	_ =	sdelay $0x3  }
0x36: {  	p1 =	seq.s32 s10, $0x1;
	s10 =	sld [smem:$0x3FB9];
	_ =	sdelay $0x3  }
0x37: {  	[smem:$0x3FB9] =	sst s10  }
0x38: {  	s10 =	sld [smem:$0x3FBA]  }
0x39: {  	_ = 	snop;
	(pc) =	sbr.ind lr, $3  }
0x3a: {  	_ = 	snop  }
0x3b: {  	_ = 	snop  }
0x3c: {  	p2 =	seq.s32 s10, $0x1;
	s10 =	sld [smem:$0x3FB9]  }
0x3d: {  	_ =	shalt  }
0x3e: {  	_ =	shalt  }
0x3f: {  	_ =	shalt  }
0x40: {  	_ =	shalt  }
0x41: {  	_ =	shalt  }
0x42: {  	_ =	shalt  }
0x43: {  	_ =	shalt  }
0x44: {  	_ =	shalt  }
0x45: {  	_ =	shalt  }
0x46: {  	_ =	shalt  }
0x47: {  	_ =	shalt  }
0x48: {  	_ =	shalt  }
0x49: {  	_ =	shalt  }
0x4a: {  	_ =	shalt  }
0x4b: {  	_ =	shalt  }
0x4c: {  	_ =	shalt  }
0x4d: {  	_ =	shalt  }
0x4e: {  	_ =	shalt  }
0x4f: {  	_ =	shalt  }
0x50: {  	_ =	shalt  }
0x51: {  	_ =	shalt  }
0x52: {  	_ =	shalt  }
0x53: {  	_ =	shalt  }
0x54: {  	_ =	shalt  }
0x55: {  	_ =	shalt  }
0x56: {  	_ =	shalt  }
0x57: {  	_ =	shalt  }
0x58: {  	_ =	shalt  }
0x59: {  	_ =	shalt  }
0x5a: {  	_ =	shalt  }
0x5b: {  	_ =	shalt  }
0x5c: {  	_ =	shalt  }
0x5d: {  	_ =	shalt  }
0x5e: {  	_ =	shalt  }
0x5f: {  	_ =	shalt  }
0x60: {  	_ =	shalt  }
0x61: {  	_ =	shalt  }
0x62: {  	_ =	shalt  }
0x63: {  	_ =	shalt  }
0x64: {  	_ =	shalt  }
0x65: {  	_ =	shalt  }
0x66: {  	_ =	shalt  }
0x67: {  	_ =	shalt  }
0x68: {  	_ =	shalt  }
0x69: {  	_ =	shalt  }
0x6a: {  	_ =	shalt  }
0x6b: {  	_ =	shalt  }
0x6c: {  	_ =	shalt  }
0x6d: {  	_ =	shalt  }
0x6e: {  	_ =	shalt  }
0x6f: {  	_ =	shalt  }
0x70: {  	_ =	shalt  }
0x71: {  	_ =	shalt  }
0x72: {  	_ =	shalt  }
0x73: {  	_ =	shalt  }
0x74: {  	_ =	shalt  }
0x75: {  	_ =	shalt  }
0x76: {  	_ =	shalt  }
0x77: {  	_ =	shalt  }
0x78: {  	_ =	shalt  }
0x79: {  	_ =	shalt  }
0x7a: {  	_ =	shalt  }
0x7b: {  	_ =	shalt  }
0x7c: {  	_ =	shalt  }
0x7d: {  	_ =	shalt  }
0x7e: {  	_ =	shalt  }
0x7f: {  	_ =	shalt  }
0x80: {  	_ =	shalt  }
0x81: {  	_ =	shalt  }
0x82: {  	_ =	shalt  }
0x83: {  	_ =	shalt  }
0x84: {  	_ =	shalt  }
0x85: {  	_ =	shalt  }
0x86: {  	_ =	shalt  }
0x87: {  	_ =	shalt  }
.Lfunc_end0:
.L_simem_size_0:
called_computation_lowered:
.L_overlay_start_0:
0x88: {  	s2 =	sld [smem:$0x3FD9]  }
0x89: {  	s3 =	sld [smem:$0x3FFE];
	_ =	sdelay $0x1  }
0x8a: {  	s1 =	srdreg.scid  }
0x8b: {  	s0 =	sand.u32 $0x1, s1  }
0x8c: {  	s18 =	sshll.u32 s0, $0xA;
	s2 =	sadd.s32 s3, s2  }
0x8d: {  	s2 =	sadd.s32 s2, s18  }
0x8e: {  	[smem:$0x3FC5] =	sst s2  }
0x8f: {  	_ = 	snop  }
0x90: {  	s2 =	sld [smem:$0x3FC9]  }
0x91: {  	s19 =	sld [smem:$0x3FC8]  }
0x92: {  	s4 =	sld [smem:$0x3FC7]  }
0x93: {  	s5 =	sld [smem:$0x3FD0];
	(tm) =	ssettm $0x1  }
0x94: {  	s6 =	sld [smem:$0x3FFB];
	_ =	sdelay $0x3  }
0x95: {  	_ =	strace s6  }
0x96: {  	s6 =	sld [smem:$0x3FFC];
	_ =	sdelay $0x3  }
0x97: {  	_ =	strace s6  }
0x98: {  	s6 =	sld [smem:$0x3FFD];
	_ =	sdelay $0x3  }
0x99: {  	_ =	strace s6  }
0x9a: {  	_ =	strace $0x8FFFFFFF  }
0x9b: {  	s20 =	sld [smem:$0x3FDB];
	_ =	sdelay $0x1  }
0x9c: {  	s7 =	simm.s32 $_scs_section_size  }
0x9d: {  	s8 =	simm.s32 $_size__tile_overlayer_lowered;
	s9 =	simm.s32 $_tile_overlayer_lowered  }
0x9e: {  	s23 =	simm.s32 $0x1BFF;
	s22 =	sshll.u32 s9, $0x1;
	s6 =	sadd.s32 s7, s20  }
0x9f: {  	s10 =	simm.s32 $0x0;
	s21 =	sshll.u32 s8, $0x1;
	s8 =	sadd.s32 s22, s6  }
0xa0: {  	[timem:s10], [sflag:s23] =	dma.local [hbm:s8], s21  }
0xa1: {  	_ =	swait.ge [sflag:s23], s21  }
0xa2: {  	s7 =	ssub.s32 $0x0, s21;
	[sflag:s23] =	ssyncset.done $0x0  }
0xa3: {  	[sflag:s23] =	ssyncadd.s32 s7;
	_ =	sdelay $0x1  }
0xa4: {  	s24 =	simm.s32 $0x1B8B  }
0xa5: {  	_ =	swait.ge [sflag:s24], $0x1  }
0xa6: {  	[sflag:s24] =	ssyncset.done $0x0  }
0xa7: {  	s25 =	simm.s32 $0x1B8E;
	[sflag:s24] =	ssyncadd.s32 $0xFFFFFFFF  }
0xa8: {  	s26 =	simm.s32 $execute0_lowered;
	[smem:$0x3FD2] =	sst s25  }
0xa9: {  	s7 =	sshll.u32 s26, $0x1;
	_ =	strace $0x80000046;
	[dreg:$0x1] =	wrdreg $0xFFFFFFFF  }
0xaa: {  	s28 =	simm.s32 $_size_execute0_lowered;
	s6 =	sadd.s32 s6, s7;
	[dreg:$0x0] =	wrdreg $0x0  }
0xab: {  	s7 =	sshll.u32 s28, $0x1;
	[dreg:$0x2] =	wrdreg s6  }
0xac: {  	[dreg:$0x3] =	wrdreg s7  }
0xad: {  	[dreg:$0x4] =	wrdreg $0xC0  }
0xae: {  	_ =	task [dreg:s10], $0x5FFFF  }
0xaf: {  	[dreg:$0x1] =	wrdreg $0xFFFFFFFF  }
0xb0: {  	[dreg:$0x0] =	wrdreg $0x60  }
0xb1: {  	[dreg:$0x2] =	wrdreg s2  }
0xb2: {  	[dreg:$0x3] =	wrdreg s19  }
0xb3: {  	[dreg:$0x4] =	wrdreg s4  }
0xb4: {  	[dreg:$0x5] =	wrdreg s5  }
0xb5: {  	[dreg:$0x6] =	wrdreg $0x9  }
0xb6: {  	_ =	task.clear_ibuf [dreg:s10], $0x7FFFF;
	_ =	strace $0x90000046  }
0xb7: {  	s29 =	simm.s32 $0x9;
	_ =	strace $0x80000048  }
0xb8: {  	_ =	swait.ge [sflag:s29], $0x1  }
0xb9: {  	[sflag:s29] =	ssyncadd.s32 $0xFFFFFFFF  }
0xba: {  	_ =	strace $0x90000048  }
0xbb: {  	_ =	sfence  }
0xbc: {  	s30 =	sld [smem:$0x0];
	_ =	sdelay $0x2  }
0xbd: {  	s31 =	sshll.u32 s1, $0xD;
	s1 =	sshrl.u32 s1, $0x2  }
0xbe: {  	s3 =	sand.u32 $0x4000, s31;
	s1 =	sadd.s32 s1, s30  }
0xbf: {  	s0 =	sor.u32 s3, s0;
	s1 =	sshll.u32 s1, $0x11  }
0xc0: {  	s0 =	sor.u32 s1, s0  }
0xc1: {  	s0 =	sadd.s32 $0x8F2B, s0  }
0xc2: {  	[sflag:s0] =	ssyncadd.remote.s32 $0x1  }
0xc3: {  	_ =	sfence.sel $0xFFFF  }
0xc4: {  	[dreg:$0x0] =	wrdreg $0xFFFFFFFF;
	(pc) =	sbr.abs _section_cstart, $3  }
0xc5: {  	[dreg:$0x1] =	wrdreg $0xFFFFFFFF  }
0xc6: {  	_ =	task.clear_ibuf [dreg:s10], $0x2FFFF;
	_ =	strace $0x9FFFFFFF  }
0xc7: {  	(tm) =	ssettm $0x7FFFFFFF  }
tec
execute0_lowered:
.L_overlay_start_1:
0x0: {  	(tag) =	ssettag $0x1  }
0x1: {  	s5 =	rddreg [dreg:$0x0]  }
0x2: {  	s1 =	rddreg [dreg:$0x1]  }
0x3: {  	s2 =	rddreg [dreg:$0x2]  }
0x4: {  	s6 =	rddreg [dreg:$0x3];
	s3 =	srdreg.scid  }
0x5: {  	s0 =	rddreg [dreg:$0x4];
	s4 =	simm.s32 $0x0;
	s11 =	simm.s32 $0x200  }
0x6: {  	s12 =	simm.s32 $0x280;
	s13 =	simm.s32 $0x100;
	s14 =	simm.s32 $0x300  }
0x7: {  	s15 =	simm.s32 $0x180;
	s16 =	simm.s32 $0x380;
	s17 =	simm.s32 $0x2  }
0x8: {  	s18 =	simm.s32 $0x3;
	s19 =	simm.s32 $0x4;
	s20 =	simm.s32 $0x5  }
0x9: {  	s21 =	simm.s32 $0x6;
	s22 =	simm.s32 $0x7;
	s7 =	sand.u32 $0x1, s3  }
0xa: {  	[smem:$0x7FF] =	sst s4;
	s3 =	stileid.u32;
	s8 =	ssub.s32 $0x2, s7  }
0xb: {  	s10 =	sshll.u32 s3, $0x7;
	s7 =	sshll.u32 s7, $0x6;
	_ =	strace $0x80000047  }
0xc: {  	s9 =	sshrl.u32 s8, $0x1;
	s7 =	sor.u32 s7, s10;
	s10 =	simm.s32 $0x80  }
0xd: {  	s8 =	ssub.s32 s8, s9;
	s5 =	sadd.s32 s5, s7;
	s6 =	sadd.s32 s6, s7  }
0xe: {  	s9 =	simm.s32 $0x1;
	s7 =	smax.u32 s8, $0x1;
	s8 =	simm.s32 $0x400  }
.LBB2_1:
0xf: {  	[tilespmem:s4], [sflag:$0x1] =	stream.linear.gather [hbm4b:s5+s4], $0x200, $0x38;
	[tilespmem:$0x480] =	vst v63  }
0x10: {  	_ = 	snop  }
0x11: {  	[tilespmem:s8], [sflag:$0x2] =	stream.linear.gather [hbm4b:s1+s4], $0x1, $0x38;
	[tilespmem:$0x480] =	vst v63  }
0x12: {  	_ =	swait.ge [sflag:s9], $0x200  }
0x13: {  	[sflag:s9] =	ssyncset.done $0x0  }
0x14: {  	[sflag:s9] =	ssyncadd.s32 $0xFFFFFE00  }
0x15: {  	[tilespmem:s11], [sflag:$0x3] =	stream.indirect.gather [hbm4b:s2+s10], $0x1, s4, s10, $0xb8;
	[tilespmem:$0x480] =	vst v63  }
0x16: {  	_ = 	snop  }
0x17: {  	[tilespmem:s12], [sflag:$0x4] =	stream.indirect.gather [hbm4b:s2+s10], $0x1, s10, s10, $0xb8;
	[tilespmem:$0x480] =	vst v63  }
0x18: {  	_ = 	snop  }
0x19: {  	[tilespmem:s14], [sflag:$0x5] =	stream.indirect.gather [hbm4b:s2+s10], $0x1, s13, s10, $0xb8;
	[tilespmem:$0x480] =	vst v63  }
0x1a: {  	_ = 	snop  }
0x1b: {  	[tilespmem:s16], [sflag:$0x6] =	stream.indirect.gather [hbm4b:s2+s10], $0x1, s15, s10, $0xb8;
	[tilespmem:$0x480] =	vst v63  }
0x1c: {  	_ =	swait.ge [sflag:s17], $0x1  }
0x1d: {  	[sflag:s17] =	ssyncset.done $0x0  }
0x1e: {  	[sflag:s17] =	ssyncadd.s32 $0xFFFFFFFF  }
0x1f: {  	v0 =	vld [tilespmem:$0x400];
	_ =	sdelay $0x4  }
0x20: {  	(v2sf) =	vpush v0, $0x0;
	_ =	sdelay $0xe  }
0x21: {  	s23 =	spop (v2sf)  }
0x22: {  	_ =	swait.ge [sflag:s18], $0x80  }
0x23: {  	[sflag:s18] =	ssyncset.done $0x0  }
0x24: {  	[sflag:s18] =	ssyncadd.s32 $0xFFFFFF80  }
0x25: {  	_ =	swait.ge [sflag:s19], $0x80  }
0x26: {  	[sflag:s19] =	ssyncset.done $0x0  }
0x27: {  	[sflag:s19] =	ssyncadd.s32 $0xFFFFFF80  }
0x28: {  	v39 =	vld [tilespmem:$0x200];
	_ =	sdelay $0x4  }
0x29: {  	v0 =	vsub.f32 $0.0e+00, v39;
	_ =	sdelay $0x1  }
0x2a: {  	v0 =	vmul.f32 $1.442695020e+00, v0;
	_ =	sdelay $0x1  }
0x2b: {  	(erf) = vpow2.f32 v0;
	_ =	sdelay $0x3  }
0x2c: {  	v40 =	vld [tilespmem:$0x210];
	_ =	sdelay $0x4  }
0x2d: {  	v0 =	vsub.f32 $0.0e+00, v40;
	v1 =	vpop (erf)  }
0x2e: {  	v1 =	vadd.f32 $1.000000000e+00, v1  }
0x2f: {  	v0 =	vmul.f32 $1.442695020e+00, v0  }
0x30: {  	(erf) = vrcp.f32 v1  }
0x31: {  	(erf) = vpow2.f32 v0;
	_ =	sdelay $0x3  }
0x32: {  	v41 =	vld [tilespmem:$0x220];
	_ =	sdelay $0x3  }
0x33: {  	v1 =	vpop (erf)  }
0x34: {  	v0 =	vsub.f32 $0.0e+00, v41;
	v2 =	vpop (erf)  }
0x35: {  	v2 =	vadd.f32 $1.000000000e+00, v2  }
0x36: {  	v0 =	vmul.f32 $1.442695020e+00, v0  }
0x37: {  	(erf) = vrcp.f32 v2  }
0x38: {  	(erf) = vpow2.f32 v0;
	_ =	sdelay $0x3  }
0x39: {  	v42 =	vld [tilespmem:$0x230];
	_ =	sdelay $0x3  }
0x3a: {  	v2 =	vpop (erf)  }
0x3b: {  	v0 =	vsub.f32 $0.0e+00, v42;
	v3 =	vpop (erf)  }
0x3c: {  	v3 =	vadd.f32 $1.000000000e+00, v3  }
0x3d: {  	v0 =	vmul.f32 $1.442695020e+00, v0  }
0x3e: {  	(erf) = vrcp.f32 v3  }
0x3f: {  	(erf) = vpow2.f32 v0;
	_ =	sdelay $0x3  }
0x40: {  	v43 =	vld [tilespmem:$0x240];
	_ =	sdelay $0x3  }
0x41: {  	v3 =	vpop (erf)  }
0x42: {  	v0 =	vsub.f32 $0.0e+00, v43;
	v4 =	vpop (erf)  }
0x43: {  	v4 =	vadd.f32 $1.000000000e+00, v4  }
0x44: {  	v0 =	vmul.f32 $1.442695020e+00, v0  }
0x45: {  	(erf) = vrcp.f32 v4  }
0x46: {  	(erf) = vpow2.f32 v0;
	_ =	sdelay $0x3  }
0x47: {  	v44 =	vld [tilespmem:$0x250];
	_ =	sdelay $0x3  }
0x48: {  	v4 =	vpop (erf)  }
0x49: {  	v0 =	vsub.f32 $0.0e+00, v44;
	v5 =	vpop (erf)  }
0x4a: {  	v5 =	vadd.f32 $1.000000000e+00, v5  }
0x4b: {  	v0 =	vmul.f32 $1.442695020e+00, v0  }
0x4c: {  	(erf) = vrcp.f32 v5  }
0x4d: {  	(erf) = vpow2.f32 v0;
	_ =	sdelay $0x3  }
0x4e: {  	v45 =	vld [tilespmem:$0x260];
	_ =	sdelay $0x3  }
0x4f: {  	v5 =	vpop (erf)  }
0x50: {  	v0 =	vsub.f32 $0.0e+00, v45;
	v6 =	vpop (erf)  }
0x51: {  	v6 =	vadd.f32 $1.000000000e+00, v6  }
0x52: {  	v0 =	vmul.f32 $1.442695020e+00, v0  }
0x53: {  	(erf) = vrcp.f32 v6  }
0x54: {  	(erf) = vpow2.f32 v0;
	_ =	sdelay $0x3  }
0x55: {  	v46 =	vld [tilespmem:$0x270];
	_ =	sdelay $0x3  }
0x56: {  	v6 =	vpop (erf)  }
0x57: {  	v0 =	vsub.f32 $0.0e+00, v46;
	v7 =	vpop (erf)  }
0x58: {  	v7 =	vadd.f32 $1.000000000e+00, v7  }
0x59: {  	v0 =	vmul.f32 $1.442695020e+00, v0  }
0x5a: {  	(erf) = vrcp.f32 v7  }
0x5b: {  	(erf) = vpow2.f32 v0;
	_ =	sdelay $0x3  }
0x5c: {  	v47 =	vld [tilespmem:$0x280];
	_ =	sdelay $0x3  }
0x5d: {  	v7 =	vpop (erf)  }
0x5e: {  	v0 =	vsub.f32 $0.0e+00, v47;
	v8 =	vpop (erf)  }
0x5f: {  	v8 =	vadd.f32 $1.000000000e+00, v8  }
0x60: {  	v0 =	vmul.f32 $1.442695020e+00, v0  }
0x61: {  	(erf) = vrcp.f32 v8  }
0x62: {  	(erf) = vpow2.f32 v0;
	_ =	sdelay $0x3  }
0x63: {  	v48 =	vld [tilespmem:$0x290];
	_ =	sdelay $0x3  }
0x64: {  	v8 =	vpop (erf)  }
0x65: {  	v0 =	vsub.f32 $0.0e+00, v48;
	v9 =	vpop (erf)  }
0x66: {  	v9 =	vadd.f32 $1.000000000e+00, v9  }
0x67: {  	v0 =	vmul.f32 $1.442695020e+00, v0  }
0x68: {  	(erf) = vrcp.f32 v9  }
0x69: {  	(erf) = vpow2.f32 v0;
	_ =	sdelay $0x3  }
0x6a: {  	v49 =	vld [tilespmem:$0x2A0];
	_ =	sdelay $0x3  }
0x6b: {  	v9 =	vpop (erf)  }
0x6c: {  	v0 =	vsub.f32 $0.0e+00, v49;
	v10 =	vpop (erf)  }
0x6d: {  	v10 =	vadd.f32 $1.000000000e+00, v10  }
0x6e: {  	v0 =	vmul.f32 $1.442695020e+00, v0  }
0x6f: {  	(erf) = vrcp.f32 v10  }
0x70: {  	(erf) = vpow2.f32 v0;
	_ =	sdelay $0x3  }
0x71: {  	v50 =	vld [tilespmem:$0x2B0];
	_ =	sdelay $0x3  }
0x72: {  	v10 =	vpop (erf)  }
0x73: {  	v0 =	vsub.f32 $0.0e+00, v50;
	v11 =	vpop (erf)  }
0x74: {  	v11 =	vadd.f32 $1.000000000e+00, v11  }
0x75: {  	v0 =	vmul.f32 $1.442695020e+00, v0  }
0x76: {  	(erf) = vrcp.f32 v11  }
0x77: {  	(erf) = vpow2.f32 v0;
	_ =	sdelay $0x3  }
0x78: {  	v51 =	vld [tilespmem:$0x2C0];
	_ =	sdelay $0x3  }
0x79: {  	v11 =	vpop (erf)  }
0x7a: {  	v0 =	vsub.f32 $0.0e+00, v51;
	v12 =	vpop (erf)  }
0x7b: {  	v12 =	vadd.f32 $1.000000000e+00, v12  }
0x7c: {  	v0 =	vmul.f32 $1.442695020e+00, v0  }
0x7d: {  	(erf) = vrcp.f32 v12  }
0x7e: {  	(erf) = vpow2.f32 v0;
	_ =	sdelay $0x3  }
0x7f: {  	v52 =	vld [tilespmem:$0x2D0];
	_ =	sdelay $0x3  }
0x80: {  	v12 =	vpop (erf)  }
0x81: {  	v0 =	vsub.f32 $0.0e+00, v52;
	v13 =	vpop (erf)  }
0x82: {  	v13 =	vadd.f32 $1.000000000e+00, v13  }
0x83: {  	v0 =	vmul.f32 $1.442695020e+00, v0  }
0x84: {  	(erf) = vrcp.f32 v13  }
0x85: {  	(erf) = vpow2.f32 v0;
	_ =	sdelay $0x3  }
0x86: {  	v53 =	vld [tilespmem:$0x2E0];
	_ =	sdelay $0x3  }
0x87: {  	v13 =	vpop (erf)  }
0x88: {  	v0 =	vsub.f32 $0.0e+00, v53;
	v14 =	vpop (erf)  }
0x89: {  	v14 =	vadd.f32 $1.000000000e+00, v14  }
0x8a: {  	v0 =	vmul.f32 $1.442695020e+00, v0  }
0x8b: {  	(erf) = vrcp.f32 v14  }
0x8c: {  	(erf) = vpow2.f32 v0;
	_ =	sdelay $0x3  }
0x8d: {  	v54 =	vld [tilespmem:$0x2F0];
	_ =	sdelay $0x3  }
0x8e: {  	v14 =	vpop (erf)  }
0x8f: {  	v0 =	vsub.f32 $0.0e+00, v54;
	v15 =	vpop (erf)  }
0x90: {  	v15 =	vadd.f32 $1.000000000e+00, v15  }
0x91: {  	v0 =	vmul.f32 $1.442695020e+00, v0  }
0x92: {  	(erf) = vrcp.f32 v15  }
0x93: {  	(erf) = vpow2.f32 v0;
	_ =	sdelay $0x5  }
0x94: {  	p0 =	sgt.s32 s23, $0x3E7  }
0x95: {  	v55 =	vpsel !p0, $0x3F800000, v1  }
0x96: {  	[tilespmem:$0x200] =	vst v55;
	v56 =	vpsel !p0, $0x3F800000, v2;
	v57 =	vpop (erf)  }
0x97: {  	[tilespmem:$0x210] =	vst v56;
	v58 =	vpsel !p0, $0x3F800000, v3;
	v59 =	vpop (erf)  }
0x98: {  	[tilespmem:$0x220] =	vst v58;
	v60 =	vpsel !p0, $0x3F800000, v4;
	v2 =	vadd.f32 $1.000000000e+00, v59  }
0x99: {  	[tilespmem:$0x230] =	vst v60;
	v61 =	vpsel !p0, $0x3F800000, v5  }
0x9a: {  	[tilespmem:$0x240] =	vst v61;
	v62 =	vpsel !p0, $0x3F800000, v6;
	(erf) = vrcp.f32 v2  }
0x9b: {  	[tilespmem:$0x250] =	vst v62;
	v63 =	vpsel !p0, $0x3F800000, v7  }
0x9c: {  	[tilespmem:$0x260] =	vst v63;
	v4 =	vpsel !p0, $0x3F800000, v8  }
0x9d: {  	[tilespmem:$0x270] =	vst v4;
	v5 =	vpsel !p0, $0x3F800000, v9  }
0x9e: {  	[tilespmem:$0x280] =	vst v5;
	v6 =	vpsel !p0, $0x3F800000, v10  }
0x9f: {  	[tilespmem:$0x290] =	vst v6;
	v7 =	vpsel !p0, $0x3F800000, v11  }
0xa0: {  	[tilespmem:$0x2A0] =	vst v7;
	v8 =	vpsel !p0, $0x3F800000, v12  }
0xa1: {  	[tilespmem:$0x2B0] =	vst v8;
	v9 =	vpsel !p0, $0x3F800000, v13  }
0xa2: {  	[tilespmem:$0x2C0] =	vst v9;
	v10 =	vpsel !p0, $0x3F800000, v14  }
0xa3: {  	[tilespmem:$0x2D0] =	vst v10;
	v11 =	vpsel !p0, $0x3F800000, v57;
	v12 =	vpop (erf)  }
0xa4: {  	[tilespmem:$0x2E0] =	vst v11;
	v13 =	vpsel !p0, $0x3F800000, v12  }
0xa5: {  	[tilespmem:$0x2F0] =	vst v13  }
0xa6: {  	_ =	swait.ge [sflag:s20], $0x80  }
0xa7: {  	[sflag:s20] =	ssyncset.done $0x0  }
0xa8: {  	[sflag:s20] =	ssyncadd.s32 $0xFFFFFF80  }
0xa9: {  	_ =	swait.ge [sflag:s21], $0x80  }
0xaa: {  	[sflag:s21] =	ssyncset.done $0x0  }
0xab: {  	[sflag:s21] =	ssyncadd.s32 $0xFFFFFF80  }
0xac: {  	v14 =	vld [tilespmem:$0x300];
	_ =	sdelay $0x4  }
0xad: {  	v0 =	vsub.f32 $0.0e+00, v14;
	_ =	sdelay $0x1  }
0xae: {  	v0 =	vmul.f32 $1.442695020e+00, v0;
	_ =	sdelay $0x1  }
0xaf: {  	(erf) = vpow2.f32 v0;
	_ =	sdelay $0x3  }
0xb0: {  	v15 =	vld [tilespmem:$0x310];
	_ =	sdelay $0x4  }
0xb1: {  	v0 =	vsub.f32 $0.0e+00, v15;
	v16 =	vpop (erf)  }
0xb2: {  	v1 =	vadd.f32 $1.000000000e+00, v16  }
0xb3: {  	v0 =	vmul.f32 $1.442695020e+00, v0  }
0xb4: {  	(erf) = vrcp.f32 v1  }
0xb5: {  	(erf) = vpow2.f32 v0;
	_ =	sdelay $0x3  }
0xb6: {  	v17 =	vld [tilespmem:$0x320];
	_ =	sdelay $0x3  }
0xb7: {  	v1 =	vpop (erf)  }
0xb8: {  	v0 =	vsub.f32 $0.0e+00, v17;
	v18 =	vpop (erf)  }
0xb9: {  	v2 =	vadd.f32 $1.000000000e+00, v18  }
0xba: {  	v0 =	vmul.f32 $1.442695020e+00, v0  }
0xbb: {  	(erf) = vrcp.f32 v2  }
0xbc: {  	(erf) = vpow2.f32 v0;
	_ =	sdelay $0x3  }
0xbd: {  	v19 =	vld [tilespmem:$0x330];
	_ =	sdelay $0x3  }
0xbe: {  	v2 =	vpop (erf)  }
0xbf: {  	v0 =	vsub.f32 $0.0e+00, v19;
	v20 =	vpop (erf)  }
0xc0: {  	v3 =	vadd.f32 $1.000000000e+00, v20  }
0xc1: {  	v0 =	vmul.f32 $1.442695020e+00, v0  }
0xc2: {  	(erf) = vrcp.f32 v3  }
0xc3: {  	(erf) = vpow2.f32 v0;
	_ =	sdelay $0x3  }
0xc4: {  	v21 =	vld [tilespmem:$0x340];
	_ =	sdelay $0x3  }
0xc5: {  	v3 =	vpop (erf)  }
0xc6: {  	v0 =	vsub.f32 $0.0e+00, v21;
	v22 =	vpop (erf)  }
0xc7: {  	v4 =	vadd.f32 $1.000000000e+00, v22  }
0xc8: {  	v0 =	vmul.f32 $1.442695020e+00, v0  }
0xc9: {  	(erf) = vrcp.f32 v4  }
0xca: {  	(erf) = vpow2.f32 v0;
	_ =	sdelay $0x3  }
0xcb: {  	v23 =	vld [tilespmem:$0x350];
	_ =	sdelay $0x3  }
0xcc: {  	v4 =	vpop (erf)  }
0xcd: {  	v0 =	vsub.f32 $0.0e+00, v23;
	v24 =	vpop (erf)  }
0xce: {  	v5 =	vadd.f32 $1.000000000e+00, v24  }
0xcf: {  	v0 =	vmul.f32 $1.442695020e+00, v0  }
0xd0: {  	(erf) = vrcp.f32 v5  }
0xd1: {  	(erf) = vpow2.f32 v0;
	_ =	sdelay $0x3  }
0xd2: {  	v25 =	vld [tilespmem:$0x360];
	_ =	sdelay $0x3  }
0xd3: {  	v5 =	vpop (erf)  }
0xd4: {  	v0 =	vsub.f32 $0.0e+00, v25;
	v26 =	vpop (erf)  }
0xd5: {  	v6 =	vadd.f32 $1.000000000e+00, v26  }
0xd6: {  	v0 =	vmul.f32 $1.442695020e+00, v0  }
0xd7: {  	(erf) = vrcp.f32 v6  }
0xd8: {  	(erf) = vpow2.f32 v0;
	_ =	sdelay $0x3  }
0xd9: {  	v27 =	vld [tilespmem:$0x370];
	_ =	sdelay $0x3  }
0xda: {  	v6 =	vpop (erf)  }
0xdb: {  	v0 =	vsub.f32 $0.0e+00, v27;
	v28 =	vpop (erf)  }
0xdc: {  	v7 =	vadd.f32 $1.000000000e+00, v28  }
0xdd: {  	v0 =	vmul.f32 $1.442695020e+00, v0  }
0xde: {  	(erf) = vrcp.f32 v7  }
0xdf: {  	(erf) = vpow2.f32 v0;
	_ =	sdelay $0x3  }
0xe0: {  	v29 =	vld [tilespmem:$0x380];
	_ =	sdelay $0x3  }
0xe1: {  	v7 =	vpop (erf)  }
0xe2: {  	v0 =	vsub.f32 $0.0e+00, v29;
	v30 =	vpop (erf)  }
0xe3: {  	v8 =	vadd.f32 $1.000000000e+00, v30  }
0xe4: {  	v0 =	vmul.f32 $1.442695020e+00, v0  }
0xe5: {  	(erf) = vrcp.f32 v8  }
0xe6: {  	(erf) = vpow2.f32 v0;
	_ =	sdelay $0x3  }
0xe7: {  	v31 =	vld [tilespmem:$0x390];
	_ =	sdelay $0x3  }
0xe8: {  	v8 =	vpop (erf)  }
0xe9: {  	v0 =	vsub.f32 $0.0e+00, v31;
	v32 =	vpop (erf)  }
0xea: {  	v9 =	vadd.f32 $1.000000000e+00, v32  }
0xeb: {  	v0 =	vmul.f32 $1.442695020e+00, v0  }
0xec: {  	(erf) = vrcp.f32 v9  }
0xed: {  	(erf) = vpow2.f32 v0;
	_ =	sdelay $0x3  }
0xee: {  	v33 =	vld [tilespmem:$0x3A0];
	_ =	sdelay $0x3  }
0xef: {  	v9 =	vpop (erf)  }
0xf0: {  	v0 =	vsub.f32 $0.0e+00, v33;
	v34 =	vpop (erf)  }
0xf1: {  	v10 =	vadd.f32 $1.000000000e+00, v34  }
0xf2: {  	v0 =	vmul.f32 $1.442695020e+00, v0  }
0xf3: {  	(erf) = vrcp.f32 v10  }
0xf4: {  	(erf) = vpow2.f32 v0;
	_ =	sdelay $0x3  }
0xf5: {  	v35 =	vld [tilespmem:$0x3B0];
	_ =	sdelay $0x3  }
0xf6: {  	v10 =	vpop (erf)  }
0xf7: {  	v0 =	vsub.f32 $0.0e+00, v35;
	v36 =	vpop (erf)  }
0xf8: {  	v11 =	vadd.f32 $1.000000000e+00, v36  }
0xf9: {  	v0 =	vmul.f32 $1.442695020e+00, v0  }
0xfa: {  	(erf) = vrcp.f32 v11  }
0xfb: {  	(erf) = vpow2.f32 v0;
	_ =	sdelay $0x3  }
0xfc: {  	v37 =	vld [tilespmem:$0x3C0];
	_ =	sdelay $0x3  }
0xfd: {  	v11 =	vpop (erf)  }
0xfe: {  	v0 =	vsub.f32 $0.0e+00, v37;
	v38 =	vpop (erf)  }
0xff: {  	v12 =	vadd.f32 $1.000000000e+00, v38  }
0x100: {  	v0 =	vmul.f32 $1.442695020e+00, v0  }
0x101: {  	(erf) = vrcp.f32 v12  }
0x102: {  	(erf) = vpow2.f32 v0;
	_ =	sdelay $0x3  }
0x103: {  	v39 =	vld [tilespmem:$0x3D0];
	_ =	sdelay $0x3  }
0x104: {  	v12 =	vpop (erf)  }
0x105: {  	v0 =	vsub.f32 $0.0e+00, v39;
	v40 =	vpop (erf)  }
0x106: {  	v13 =	vadd.f32 $1.000000000e+00, v40  }
0x107: {  	v0 =	vmul.f32 $1.442695020e+00, v0  }
0x108: {  	(erf) = vrcp.f32 v13  }
0x109: {  	(erf) = vpow2.f32 v0;
	_ =	sdelay $0x3  }
0x10a: {  	v41 =	vld [tilespmem:$0x3E0];
	_ =	sdelay $0x3  }
0x10b: {  	v13 =	vpop (erf)  }
0x10c: {  	v0 =	vsub.f32 $0.0e+00, v41;
	v42 =	vpop (erf)  }
0x10d: {  	v14 =	vadd.f32 $1.000000000e+00, v42  }
0x10e: {  	v0 =	vmul.f32 $1.442695020e+00, v0  }
0x10f: {  	(erf) = vrcp.f32 v14  }
0x110: {  	(erf) = vpow2.f32 v0;
	_ =	sdelay $0x3  }
0x111: {  	v43 =	vld [tilespmem:$0x3F0];
	_ =	sdelay $0x3  }
0x112: {  	v14 =	vpop (erf)  }
0x113: {  	v0 =	vsub.f32 $0.0e+00, v43;
	v44 =	vpop (erf)  }
0x114: {  	v15 =	vadd.f32 $1.000000000e+00, v44  }
0x115: {  	v0 =	vmul.f32 $1.442695020e+00, v0  }
0x116: {  	(erf) = vrcp.f32 v15  }
0x117: {  	(erf) = vpow2.f32 v0;
	_ =	sdelay $0x6  }
0x118: {  	v45 =	vpsel !p0, $0x3F800000, v1  }
0x119: {  	[tilespmem:$0x300] =	vst v45;
	v47 =	vpsel !p0, $0x3F800000, v2;
	v46 =	vpop (erf)  }
0x11a: {  	[tilespmem:$0x310] =	vst v47;
	v48 =	vpsel !p0, $0x3F800000, v3;
	v49 =	vpop (erf)  }
0x11b: {  	[tilespmem:$0x320] =	vst v48;
	v50 =	vpsel !p0, $0x3F800000, v4;
	v2 =	vadd.f32 $1.000000000e+00, v49  }
0x11c: {  	[tilespmem:$0x330] =	vst v50;
	v51 =	vpsel !p0, $0x3F800000, v5  }
0x11d: {  	[tilespmem:$0x340] =	vst v51;
	v52 =	vpsel !p0, $0x3F800000, v6;
	(erf) = vrcp.f32 v2  }
0x11e: {  	[tilespmem:$0x350] =	vst v52;
	v53 =	vpsel !p0, $0x3F800000, v7  }
0x11f: {  	[tilespmem:$0x360] =	vst v53;
	v54 =	vpsel !p0, $0x3F800000, v8  }
0x120: {  	[tilespmem:$0x370] =	vst v54;
	v55 =	vpsel !p0, $0x3F800000, v9  }
0x121: {  	[tilespmem:$0x380] =	vst v55;
	v56 =	vpsel !p0, $0x3F800000, v10  }
0x122: {  	[tilespmem:$0x390] =	vst v56;
	v57 =	vpsel !p0, $0x3F800000, v11  }
0x123: {  	[tilespmem:$0x3A0] =	vst v57;
	v58 =	vpsel !p0, $0x3F800000, v12  }
0x124: {  	[tilespmem:$0x3B0] =	vst v58;
	v59 =	vpsel !p0, $0x3F800000, v13  }
0x125: {  	[tilespmem:$0x3C0] =	vst v59;
	v60 =	vpsel !p0, $0x3F800000, v14  }
0x126: {  	[tilespmem:$0x3D0] =	vst v60;
	v61 =	vpsel !p0, $0x3F800000, v46;
	v62 =	vpop (erf)  }
0x127: {  	[tilespmem:$0x3E0] =	vst v61;
	v63 =	vpsel !p0, $0x3F800000, v62;
	p0 =	sne.s32 s7, $0x1  }
.Ltmp0:
0x128: {  	[tilespmem:$0x3F0] =	vst v63;
	(pc) =	sbr.rel @p0 .LBB2_1-.Ltmp0, $4  }
0x129: {  	[hbm4b:s6+s4] =	stream.linear.scatter [tilespmem:s11], [sflag:$0x7], $0x200, $0x38;
	[tilespmem:$0x480] =	vst v63  }
0x12a: {  	_ =	swait.ge [sflag:s22], $0x200  }
0x12b: {  	[sflag:s22] =	ssyncset.done $0x0  }
0x12c: {  	s7 =	sadd.s32 $0xFFFFFFFF, s7;
	[sflag:s22] =	ssyncadd.s32 $0xFFFFFE00  }
0x12d: {  	_ =	sfence.sel $0x180000  }
0x12e: {  	[bflag:$0x0] =	sbarrier.arrive $0xFFFF  }
0x12f: {  	p0 =	sne.s32 s3, $0x0;
	_ =	strace $0x90000047  }
0x130: {  	s0 =	sadd.s32 @!p0 $0x100000, s0;
	[bflag:$0x2] =	sbarrier.arrive $0xFFFF  }
0x131: {  	[sflag:s0] =	ssyncadd.tile.s32 @!p0 $0x1;
	_ =	shalt  }
.Lfunc_end2:
_tile_overlayer_lowered:
.L_overlay_start_2:
0x132: {  	(tag) =	ssettag $0x2  }
0x133: {  	s0 =	rddreg [dreg:$0x0];
	s2 =	stileid.u32  }
0x134: {  	s1 =	rddreg [dreg:$0x1];
	p0 =	sne.s32 s2, $0x0  }
0x135: {  	s3 =	rddreg [dreg:$0x2];
	[bflag:$0x3] =	sbarrier.arrive $0xFFFF;
	s2 =	simm.s32 @!p0 $0x1C07  }
0x136: {  	[timem:s3], [sflag:s2] =	dma.local @!p0 [hbm:s0], s1  }
0x137: {  	s0 =	simm.s32 @!p0 $0x7  }
0x138: {  	_ =	swait.ge @!p0 [sflag:s0], s1  }
0x139: {  	s1 =	ssub.s32 @!p0 $0x0, s1;
	[sflag:s0] =	ssyncset.done @!p0 $0x0  }
0x13a: {  	[sflag:s0] =	ssyncadd.s32 @!p0 s1  }
0x13b: {  	[bflag:$0x3] =	sbarrier.arrive $0xFFFF  }
0x13c: {  	_ =	shalt  }

</sc_bundles>
